<compile_context>
chip_gen: v7x
topology: tpu7x:2x2x1
jax: 0.10.2.dev20260603
libtpu: 0.0.44.dev20260713+nightly
codegen_flags: <defaults>
</compile_context>

<pallas_src>
import functools

import jax
import jax.numpy as jnp
from jax import lax
from jax.experimental import pallas as pl
from jax.experimental.pallas import tpu as pltpu
from jax.experimental.pallas import tpu_sc as plsc

H = 768
F = 3072
E = 8
T = 2048
TB = 512
BT = 512
NB = 12
NSLOT = NB * BT
PW = 128
NC, NS = 2, 16
NW = NC * NS
TPW = T // NW


_NSTEP = T // TB + 1


def _router_body(x_ref, wr_ref, logits_ref, pmax_ref, counts_ref, psum_ref,
                 pos_ref, bexp_ref, bval_ref, carry_ref, routes_s, rank_s):
    i = pl.program_id(0)

    @pl.when(i == 0)
    def _():
        counts_ref[...] = jnp.zeros_like(counts_ref)
        psum_ref[...] = jnp.zeros_like(psum_ref)
        carry_ref[...] = jnp.zeros_like(carry_ref)

    @pl.when(i < _NSTEP - 1)
    def _():
        xb = x_ref[...]
        logits = jnp.dot(xb, wr_ref[...], preferred_element_type=jnp.float32)
        logits_ref[...] = logits
        m = jnp.max(logits, axis=1, keepdims=True)
        ex = jnp.exp(logits - m)
        p = ex / jnp.sum(ex, axis=1, keepdims=True)
        pmax = jnp.max(p, axis=1, keepdims=True)
        iota_e = lax.broadcasted_iota(jnp.int32, (TB, E), 1)
        routes = jnp.min(jnp.where(p == pmax, iota_e, E), axis=1)
        mask = (iota_e == routes[:, None]).astype(jnp.float32)

        ltri = (lax.broadcasted_iota(jnp.int32, (TB, TB), 0)
                > lax.broadcasted_iota(jnp.int32, (TB, TB), 1)
                ).astype(jnp.float32)
        exc = jnp.dot(ltri, mask, preferred_element_type=jnp.float32)
        rank = jnp.sum(mask * (carry_ref[...] + exc), axis=1)
        routes_s[pl.ds(i * TB, TB)] = routes
        rank_s[pl.ds(i * TB, TB)] = rank.astype(jnp.int32)

        counts_ref[...] += jnp.sum(mask, axis=0, keepdims=True)
        psum_ref[...] += jnp.sum(p, axis=0, keepdims=True)
        carry_ref[...] += jnp.sum(mask, axis=0, keepdims=True)

        pmax_ref[...] = jnp.broadcast_to(pmax, (TB, PW))

    @pl.when(i == _NSTEP - 1)
    def _():
        counts = counts_ref[...]
        nblk = jnp.floor((counts + (BT - 1)) * (1.0 / BT))
        ilt = (lax.broadcasted_iota(jnp.int32, (E, E), 0)
               < lax.broadcasted_iota(jnp.int32, (E, E), 1)).astype(jnp.float32)
        ile = (lax.broadcasted_iota(jnp.int32, (E, E), 0)
               <= lax.broadcasted_iota(jnp.int32, (E, E), 1)).astype(jnp.float32)
        off = jnp.dot(nblk * BT, ilt, preferred_element_type=jnp.float32)
        bend = jnp.dot(nblk, ile, preferred_element_type=jnp.float32)
        total = bend[0, E - 1]

        routes = routes_s[...]
        maskf = (lax.broadcasted_iota(jnp.int32, (T, E), 1)
                 == routes[:, None]).astype(jnp.float32)
        base = jnp.sum(maskf * off, axis=1)
        pos_ref[...] = rank_s[...] + base.astype(jnp.int32)

        biota = lax.broadcasted_iota(jnp.int32, (NB, E), 0).astype(jnp.float32)
        bexp = jnp.sum((biota >= jnp.broadcast_to(bend, (NB, E))
                        ).astype(jnp.float32), axis=1)
        bexp_ref[...] = jnp.minimum(bexp, E - 1).astype(jnp.int32)
        bval_ref[...] = (biota[:, 0] < total).astype(jnp.int32)


def _run_router(xf, W_r):
    nc = T // TB - 1
    return pl.pallas_call(
        _router_body,
        grid=(_NSTEP,),
        in_specs=[
            pl.BlockSpec((TB, H), lambda i: (jnp.minimum(i, nc), 0)),
            pl.BlockSpec((H, E), lambda i: (0, 0)),
        ],
        out_specs=[
            pl.BlockSpec((TB, E), lambda i: (jnp.minimum(i, nc), 0)),
            pl.BlockSpec((TB, PW), lambda i: (jnp.minimum(i, nc), 0)),
            pl.BlockSpec((1, E), lambda i: (0, 0)),
            pl.BlockSpec((1, E), lambda i: (0, 0)),
            pl.BlockSpec((T,), lambda i: (0,)),
            pl.BlockSpec((NB,), lambda i: (0,)),
            pl.BlockSpec((NB,), lambda i: (0,)),
        ],
        out_shape=[
            jax.ShapeDtypeStruct((T, E), jnp.float32),
            jax.ShapeDtypeStruct((T, PW), jnp.float32),
            jax.ShapeDtypeStruct((1, E), jnp.float32),
            jax.ShapeDtypeStruct((1, E), jnp.float32),
            jax.ShapeDtypeStruct((T,), jnp.int32),
            jax.ShapeDtypeStruct((NB,), jnp.int32),
            jax.ShapeDtypeStruct((NB,), jnp.int32),
        ],
        scratch_shapes=[
            pltpu.VMEM((1, E), jnp.float32),
            pltpu.VMEM((T,), jnp.int32),
            pltpu.VMEM((T,), jnp.int32),
        ],
    )(xf, W_r)


@functools.cache
def _sc_dispatch():
    mesh = plsc.VectorSubcoreMesh(
        core_axis_name="c", subcore_axis_name="s",
        num_cores=NC, num_subcores=NS)

    @functools.partial(
        pl.kernel,
        mesh=mesh,
        out_type=[
            jax.ShapeDtypeStruct((NSLOT, H), jnp.float32),
            jax.ShapeDtypeStruct((NSLOT, PW), jnp.float32),
        ],
        scratch_types=[
            pltpu.VMEM((TPW,), jnp.int32),
            pltpu.VMEM((TPW, H), jnp.float32),
            pltpu.VMEM((TPW, PW), jnp.float32),
            pltpu.SemaphoreType.DMA,
            pltpu.SemaphoreType.DMA,
        ],
    )
    def dispatch(x_hbm, pmax_hbm, pos_hbm, xs_hbm, ps_hbm, idx_v, rows_v,
                 pv, sem, sem2):
        wid = lax.axis_index("s") * NC + lax.axis_index("c")
        base = wid * TPW
        pltpu.sync_copy(pos_hbm.at[pl.ds(base, TPW)], idx_v)
        pltpu.sync_copy(x_hbm.at[pl.ds(base, TPW)], rows_v)
        pltpu.sync_copy(pmax_hbm.at[pl.ds(base, TPW)], pv)
        row_copy = pltpu.async_copy(rows_v, xs_hbm.at[idx_v], sem)
        p_copy = pltpu.async_copy(pv, ps_hbm.at[idx_v], sem2)
        row_copy.wait()
        p_copy.wait()

    return dispatch


_NFC = 4
_FC = F // _NFC


def _mlp_body(bexp_ref, bval_ref, xs_ref, ps_ref, w1_ref, b1_ref, w2_ref,
              b2_ref, out_ref):
    b = pl.program_id(0)

    @pl.when(bval_ref[b] == 1)
    def _():
        e = bexp_ref[b]
        xb = xs_ref[...]
        pmax = ps_ref[:, :1]
        o = jnp.zeros((BT, H), jnp.float32)
        for k in range(_NFC):
            lo, hi = k * _FC, (k + 1) * _FC
            hk = jnp.dot(xb, w1_ref[0, :, lo:hi],
                         preferred_element_type=jnp.float32)
            gk = jax.nn.gelu(hk + b1_ref[pl.ds(e, 1), lo:hi])
            o += jnp.dot(gk, w2_ref[0, lo:hi, :],
                         preferred_element_type=jnp.float32)
        out_ref[...] = (o + b2_ref[pl.ds(e, 1), :]) * pmax


def _run_mlp(bexp, bval, xs, ps, W1, b1, W2, b2):
    grid_spec = pltpu.PrefetchScalarGridSpec(
        num_scalar_prefetch=2,
        grid=(NB,),
        in_specs=[
            pl.BlockSpec((BT, H), lambda b, be, bv: (b, 0)),
            pl.BlockSpec((BT, PW), lambda b, be, bv: (b, 0)),
            pl.BlockSpec((1, H, F), lambda b, be, bv: (be[b], 0, 0)),
            pl.BlockSpec((E, F), lambda b, be, bv: (0, 0)),
            pl.BlockSpec((1, F, H), lambda b, be, bv: (be[b], 0, 0)),
            pl.BlockSpec((E, H), lambda b, be, bv: (0, 0)),
        ],
        out_specs=pl.BlockSpec((BT, H), lambda b, be, bv: (b, 0)),
    )
    return pl.pallas_call(
        _mlp_body,
        grid_spec=grid_spec,
        out_shape=jax.ShapeDtypeStruct((NSLOT, H), jnp.float32),
        compiler_params=pltpu.CompilerParams(
            vmem_limit_bytes=120 * 1024 * 1024),
    )(bexp, bval, xs, ps, W1, b1, W2, b2)


@functools.cache
def _sc_combine():
    mesh = plsc.VectorSubcoreMesh(
        core_axis_name="c", subcore_axis_name="s",
        num_cores=NC, num_subcores=NS)

    @functools.partial(
        pl.kernel,
        mesh=mesh,
        out_type=jax.ShapeDtypeStruct((T, H), jnp.float32),
        scratch_types=[
            pltpu.VMEM((TPW,), jnp.int32),
            pltpu.VMEM((TPW, H), jnp.float32),
            pltpu.SemaphoreType.DMA,
        ],
    )
    def combine(ys_hbm, pos_hbm, y_hbm, idx_v, rows_v, sem):
        wid = lax.axis_index("s") * NC + lax.axis_index("c")
        base = wid * TPW
        pltpu.sync_copy(pos_hbm.at[pl.ds(base, TPW)], idx_v)
        pltpu.async_copy(ys_hbm.at[idx_v], rows_v, sem).wait()
        pltpu.sync_copy(rows_v, y_hbm.at[pl.ds(base, TPW)])

    return combine


@jax.jit
def kernel(x, W_r, W1, b1, W2, b2):
    original_shape = x.shape
    xf = x.reshape(T, H)
    logits, pmax16, counts, psum, pos, bexp, bval = _run_router(xf, W_r)
    xs, ps = _sc_dispatch()(xf, pmax16, pos)
    ys = _run_mlp(bexp, bval, xs, ps, W1, b1, W2, b2)
    y = _sc_combine()(ys, pos)
    return (y.reshape(original_shape), counts[0], psum[0],
            logits.reshape(original_shape[:-1] + (E,)))

# --- scband reference (transcript-rebuilt; emitter-appended) ---
"""Pipeline reference for scband-switch-feed-forward-49950469652765 (READ-ONLY COPY).

The authoritative reference and input builder live on the scoring server;
editing this copy changes nothing except your own understanding.
"""

import jax, jax.numpy as jnp
import numpy as np

H = 768
F = 3072
E = 8
B = 1
S = 2048


def setup_inputs(seed: int = 0) -> dict:
    key = jax.random.key(seed)
    ks = jax.random.split(key, 6)
    x = jax.random.normal(ks[0], (B, S, H), dtype=jnp.float32)
    W_r = jax.random.normal(ks[1], (H, E), dtype=jnp.float32) / np.sqrt(H)
    W1 = jax.random.normal(ks[2], (E, H, F), dtype=jnp.float32) / np.sqrt(H)
    b1 = jnp.zeros((E, F), dtype=jnp.float32)
    W2 = jax.random.normal(ks[3], (E, F, H), dtype=jnp.float32) / np.sqrt(F)
    b2 = jnp.zeros((E, H), dtype=jnp.float32)
    return {"x": x, "W_r": W_r, "W1": W1, "b1": b1, "W2": W2, "b2": b2}


def reference(x, W_r, W1, b1, W2, b2):
    # Switch (top-1) MoE feed-forward, deterministic path (training=False -> no token dropping)
    original_shape = x.shape
    xf = x.reshape(-1, H)
    gate_logits = xf @ W_r                                   # [T, E]
    route_prob = jax.nn.softmax(gate_logits, axis=-1)
    route_prob_max = jnp.max(route_prob, axis=-1)            # [T]
    routes = jnp.argmax(route_prob, axis=-1)                 # [T]
    expert_mask = jax.nn.one_hot(routes, E).astype(jnp.float32)  # [T, E]
    expert_counts = jnp.sum(expert_mask, axis=0)             # [E]
    # dense dispatch: each expert sees the masked token matrix
    expert_inputs = jnp.einsum('te,td->etd', expert_mask, xf)    # [E, T, H]
    # per-expert MLP: Dense(F) -> gelu -> Dense(H)
    h = jax.nn.gelu(jnp.einsum('etd,edf->etf', expert_inputs, W1) + b1[:, None, :])
    expert_outputs = jnp.einsum('etf,efd->etd', h, W2) + b2[:, None, :]  # [E, T, H]
    combined = jnp.einsum('te,etd->td', expert_mask, expert_outputs)     # [T, H]
    final_output = combined * route_prob_max[:, None]        # is_scale_prob=True
    final_output = final_output.reshape(original_shape)
    gate_logits_out = gate_logits.reshape(original_shape[:-1] + (E,))
    return (final_output, expert_counts, jnp.sum(route_prob, axis=0), gate_logits_out)

if __name__ == "__main__":
    import jax
    _d = setup_inputs()
    print(jax.jit(kernel)(*tuple(_d.values())))

</pallas_src>

<mosaic_0001>
#map = affine_map<(d0, d1) -> (0, 0)>
#map1 = affine_map<(d0, d1) -> (0)>
module attributes {stable_mosaic.version = 14 : i64} {
  func.func @combine(%arg0: i32, %arg1: i32, %arg2: memref<6144x768xf32, #tpu.memory_space<hbm>>, %arg3: memref<2048xi32, #tpu.memory_space<hbm>>, %arg4: memref<2048x768xf32, #tpu.memory_space<hbm>>, %arg5: memref<64xi32, #tpu.memory_space<vmem>>, %arg6: memref<64x768xf32, #tpu.memory_space<vmem>>, %arg7: memref<!tpu.dma_semaphore, #tpu.memory_space<semaphore_mem>>) attributes {dimension_semantics = [#tpu.dimension_semantics<core_parallel>, #tpu.dimension_semantics<subcore_parallel>], iteration_bounds = array<i64: 2, 16>, scalar_prefetch = 0 : i64, scratch_operands = 3 : i64, tpu.core_type = #tpu.core_type<sc_vector_subcore>, window_params = [{transform_indices = #map}, {transform_indices = #map1}, {transform_indices = #map}]} {
    %mul3A = arith.constant 2 : i32
    %mul3A_0 = arith.muli %arg1, %mul3A : i32
    %add3A = arith.addi %mul3A_0, %arg0 : i32
    %mul3A_1 = arith.constant 64 : i32
    %mul3A_2 = arith.muli %add3A, %mul3A_1 : i32
    "tpu.region"() ({
      %run_scoped3A = tpu.sem_alloc : memref<!tpu.dma_semaphore, #tpu.memory_space<semaphore_mem>>
      %dma_start3A_7 = tpu.memref_slice %arg3[%mul3A_2] : memref<2048xi32, #tpu.memory_space<hbm>> -> memref<64xi32, #tpu.memory_space<hbm>>
      %dma_start3A_8 = tpu.memref_slice %arg3[%mul3A_2] : memref<2048xi32, #tpu.memory_space<hbm>> -> memref<64xi32, #tpu.memory_space<hbm>>
      tpu.enqueue_dma source(%dma_start3A_8 : memref<64xi32, #tpu.memory_space<hbm>>) target(%arg5 : memref<64xi32, #tpu.memory_space<vmem>>) target_semaphore(%run_scoped3A : memref<!tpu.dma_semaphore, #tpu.memory_space<semaphore_mem>>)
      %dma_wait3A_9 = tpu.memref_slice %arg3[%mul3A_2] : memref<2048xi32, #tpu.memory_space<hbm>> -> memref<64xi32, #tpu.memory_space<hbm>>
      %dma_wait3A_10 = tpu.memref_slice %arg3[%mul3A_2] : memref<2048xi32, #tpu.memory_space<hbm>> -> memref<64xi32, #tpu.memory_space<hbm>>
      tpu.wait_dma2 semaphore(%run_scoped3A : memref<!tpu.dma_semaphore, #tpu.memory_space<semaphore_mem>>) src(%dma_wait3A_10 : memref<64xi32, #tpu.memory_space<hbm>>) dst(%arg5 : memref<64xi32, #tpu.memory_space<vmem>>)
      tpu.yield
    }) : () -> ()
    %dma_start3A = arith.constant 0 : i32
    %dma_start3A_3 = arith.constant 0 : i32
    %dma_start3A_4 = tpu.memref_slice %arg2[%dma_start3A, %dma_start3A_3] : memref<6144x768xf32, #tpu.memory_space<hbm>> -> memref<6144x768xf32, #tpu.memory_space<hbm>>
    tpu.enqueue_indirect_dma source(%dma_start3A_4 : memref<6144x768xf32, #tpu.memory_space<hbm>>) target(%arg6 : memref<64x768xf32, #tpu.memory_space<vmem>>) offsets(%arg5 : memref<64xi32, #tpu.memory_space<vmem>>) semaphore(%arg7 : memref<!tpu.dma_semaphore, #tpu.memory_space<semaphore_mem>>)
    %dma_wait3A = arith.constant 0 : i32
    %dma_wait3A_5 = arith.constant 0 : i32
    %dma_wait3A_6 = tpu.memref_slice %arg2[%dma_wait3A, %dma_wait3A_5] : memref<6144x768xf32, #tpu.memory_space<hbm>> -> memref<6144x768xf32, #tpu.memory_space<hbm>>
    tpu.wait_indirect_dma semaphore(%arg7 : memref<!tpu.dma_semaphore, #tpu.memory_space<semaphore_mem>>) src(%dma_wait3A_6 : memref<6144x768xf32, #tpu.memory_space<hbm>>) dst(%arg6 : memref<64x768xf32, #tpu.memory_space<vmem>>)
    "tpu.region"() ({
      %run_scoped3A = tpu.sem_alloc : memref<!tpu.dma_semaphore, #tpu.memory_space<semaphore_mem>>
      %dma_start3A_7 = arith.constant 0 : i32
      %dma_start3A_8 = tpu.memref_slice %arg4[%mul3A_2, %dma_start3A_7] : memref<2048x768xf32, #tpu.memory_space<hbm>> -> memref<64x768xf32, #tpu.memory_space<hbm>>
      %dma_start3A_9 = arith.constant 0 : i32
      %dma_start3A_10 = tpu.memref_slice %arg4[%mul3A_2, %dma_start3A_9] : memref<2048x768xf32, #tpu.memory_space<hbm>> -> memref<64x768xf32, #tpu.memory_space<hbm>>
      tpu.enqueue_dma source(%arg6 : memref<64x768xf32, #tpu.memory_space<vmem>>) target(%dma_start3A_10 : memref<64x768xf32, #tpu.memory_space<hbm>>) target_semaphore(%run_scoped3A : memref<!tpu.dma_semaphore, #tpu.memory_space<semaphore_mem>>)
      %dma_wait3A_11 = arith.constant 0 : i32
      %dma_wait3A_12 = tpu.memref_slice %arg4[%mul3A_2, %dma_wait3A_11] : memref<2048x768xf32, #tpu.memory_space<hbm>> -> memref<64x768xf32, #tpu.memory_space<hbm>>
      %dma_wait3A_13 = arith.constant 0 : i32
      %dma_wait3A_14 = tpu.memref_slice %arg4[%mul3A_2, %dma_wait3A_13] : memref<2048x768xf32, #tpu.memory_space<hbm>> -> memref<64x768xf32, #tpu.memory_space<hbm>>
      tpu.wait_dma2 semaphore(%run_scoped3A : memref<!tpu.dma_semaphore, #tpu.memory_space<semaphore_mem>>) src(%arg6 : memref<64x768xf32, #tpu.memory_space<vmem>>) dst(%dma_wait3A_14 : memref<64x768xf32, #tpu.memory_space<hbm>>)
      tpu.yield
    }) : () -> ()
    return
  }
}

#map = affine_map<(d0, d1) -> (0, 0)>
#map1 = affine_map<(d0, d1) -> (0)>
module attributes {stable_mosaic.version = 14 : i64} {
  func.func @dispatch(%arg0: i32, %arg1: i32, %arg2: memref<2048x768xf32, #tpu.memory_space<hbm>>, %arg3: memref<2048x128xf32, #tpu.memory_space<hbm>>, %arg4: memref<2048xi32, #tpu.memory_space<hbm>>, %arg5: memref<6144x768xf32, #tpu.memory_space<hbm>>, %arg6: memref<6144x128xf32, #tpu.memory_space<hbm>>, %arg7: memref<64xi32, #tpu.memory_space<vmem>>, %arg8: memref<64x768xf32, #tpu.memory_space<vmem>>, %arg9: memref<64x128xf32, #tpu.memory_space<vmem>>, %arg10: memref<!tpu.dma_semaphore, #tpu.memory_space<semaphore_mem>>, %arg11: memref<!tpu.dma_semaphore, #tpu.memory_space<semaphore_mem>>) attributes {dimension_semantics = [#tpu.dimension_semantics<core_parallel>, #tpu.dimension_semantics<subcore_parallel>], iteration_bounds = array<i64: 2, 16>, scalar_prefetch = 0 : i64, scratch_operands = 5 : i64, tpu.core_type = #tpu.core_type<sc_vector_subcore>, window_params = [{transform_indices = #map}, {transform_indices = #map}, {transform_indices = #map1}, {transform_indices = #map}, {transform_indices = #map}]} {
    %mul3A = arith.constant 2 : i32
    %mul3A_0 = arith.muli %arg1, %mul3A : i32
    %add3A = arith.addi %mul3A_0, %arg0 : i32
    %mul3A_1 = arith.constant 64 : i32
    %mul3A_2 = arith.muli %add3A, %mul3A_1 : i32
    "tpu.region"() ({
      %run_scoped3A = tpu.sem_alloc : memref<!tpu.dma_semaphore, #tpu.memory_space<semaphore_mem>>
      %dma_start3A_13 = tpu.memref_slice %arg4[%mul3A_2] : memref<2048xi32, #tpu.memory_space<hbm>> -> memref<64xi32, #tpu.memory_space<hbm>>
      %dma_start3A_14 = tpu.memref_slice %arg4[%mul3A_2] : memref<2048xi32, #tpu.memory_space<hbm>> -> memref<64xi32, #tpu.memory_space<hbm>>
      tpu.enqueue_dma source(%dma_start3A_14 : memref<64xi32, #tpu.memory_space<hbm>>) target(%arg7 : memref<64xi32, #tpu.memory_space<vmem>>) target_semaphore(%run_scoped3A : memref<!tpu.dma_semaphore, #tpu.memory_space<semaphore_mem>>)
      %dma_wait3A_15 = tpu.memref_slice %arg4[%mul3A_2] : memref<2048xi32, #tpu.memory_space<hbm>> -> memref<64xi32, #tpu.memory_space<hbm>>
      %dma_wait3A_16 = tpu.memref_slice %arg4[%mul3A_2] : memref<2048xi32, #tpu.memory_space<hbm>> -> memref<64xi32, #tpu.memory_space<hbm>>
      tpu.wait_dma2 semaphore(%run_scoped3A : memref<!tpu.dma_semaphore, #tpu.memory_space<semaphore_mem>>) src(%dma_wait3A_16 : memref<64xi32, #tpu.memory_space<hbm>>) dst(%arg7 : memref<64xi32, #tpu.memory_space<vmem>>)
      tpu.yield
    }) : () -> ()
    "tpu.region"() ({
      %run_scoped3A = tpu.sem_alloc : memref<!tpu.dma_semaphore, #tpu.memory_space<semaphore_mem>>
      %dma_start3A_13 = arith.constant 0 : i32
      %dma_start3A_14 = tpu.memref_slice %arg2[%mul3A_2, %dma_start3A_13] : memref<2048x768xf32, #tpu.memory_space<hbm>> -> memref<64x768xf32, #tpu.memory_space<hbm>>
      %dma_start3A_15 = arith.constant 0 : i32
      %dma_start3A_16 = tpu.memref_slice %arg2[%mul3A_2, %dma_start3A_15] : memref<2048x768xf32, #tpu.memory_space<hbm>> -> memref<64x768xf32, #tpu.memory_space<hbm>>
      tpu.enqueue_dma source(%dma_start3A_16 : memref<64x768xf32, #tpu.memory_space<hbm>>) target(%arg8 : memref<64x768xf32, #tpu.memory_space<vmem>>) target_semaphore(%run_scoped3A : memref<!tpu.dma_semaphore, #tpu.memory_space<semaphore_mem>>)
      %dma_wait3A_17 = arith.constant 0 : i32
      %dma_wait3A_18 = tpu.memref_slice %arg2[%mul3A_2, %dma_wait3A_17] : memref<2048x768xf32, #tpu.memory_space<hbm>> -> memref<64x768xf32, #tpu.memory_space<hbm>>
      %dma_wait3A_19 = arith.constant 0 : i32
      %dma_wait3A_20 = tpu.memref_slice %arg2[%mul3A_2, %dma_wait3A_19] : memref<2048x768xf32, #tpu.memory_space<hbm>> -> memref<64x768xf32, #tpu.memory_space<hbm>>
      tpu.wait_dma2 semaphore(%run_scoped3A : memref<!tpu.dma_semaphore, #tpu.memory_space<semaphore_mem>>) src(%dma_wait3A_20 : memref<64x768xf32, #tpu.memory_space<hbm>>) dst(%arg8 : memref<64x768xf32, #tpu.memory_space<vmem>>)
      tpu.yield
    }) : () -> ()
    "tpu.region"() ({
      %run_scoped3A = tpu.sem_alloc : memref<!tpu.dma_semaphore, #tpu.memory_space<semaphore_mem>>
      %dma_start3A_13 = arith.constant 0 : i32
      %dma_start3A_14 = tpu.memref_slice %arg3[%mul3A_2, %dma_start3A_13] : memref<2048x128xf32, #tpu.memory_space<hbm>> -> memref<64x128xf32, #tpu.memory_space<hbm>>
      %dma_start3A_15 = arith.constant 0 : i32
      %dma_start3A_16 = tpu.memref_slice %arg3[%mul3A_2, %dma_start3A_15] : memref<2048x128xf32, #tpu.memory_space<hbm>> -> memref<64x128xf32, #tpu.memory_space<hbm>>
      tpu.enqueue_dma source(%dma_start3A_16 : memref<64x128xf32, #tpu.memory_space<hbm>>) target(%arg9 : memref<64x128xf32, #tpu.memory_space<vmem>>) target_semaphore(%run_scoped3A : memref<!tpu.dma_semaphore, #tpu.memory_space<semaphore_mem>>)
      %dma_wait3A_17 = arith.constant 0 : i32
      %dma_wait3A_18 = tpu.memref_slice %arg3[%mul3A_2, %dma_wait3A_17] : memref<2048x128xf32, #tpu.memory_space<hbm>> -> memref<64x128xf32, #tpu.memory_space<hbm>>
      %dma_wait3A_19 = arith.constant 0 : i32
      %dma_wait3A_20 = tpu.memref_slice %arg3[%mul3A_2, %dma_wait3A_19] : memref<2048x128xf32, #tpu.memory_space<hbm>> -> memref<64x128xf32, #tpu.memory_space<hbm>>
      tpu.wait_dma2 semaphore(%run_scoped3A : memref<!tpu.dma_semaphore, #tpu.memory_space<semaphore_mem>>) src(%dma_wait3A_20 : memref<64x128xf32, #tpu.memory_space<hbm>>) dst(%arg9 : memref<64x128xf32, #tpu.memory_space<vmem>>)
      tpu.yield
    }) : () -> ()
    %dma_start3A = arith.constant 0 : i32
    %dma_start3A_3 = arith.constant 0 : i32
    %dma_start3A_4 = tpu.memref_slice %arg5[%dma_start3A, %dma_start3A_3] : memref<6144x768xf32, #tpu.memory_space<hbm>> -> memref<6144x768xf32, #tpu.memory_space<hbm>>
    tpu.enqueue_indirect_dma source(%arg8 : memref<64x768xf32, #tpu.memory_space<vmem>>) target(%dma_start3A_4 : memref<6144x768xf32, #tpu.memory_space<hbm>>) offsets(%arg7 : memref<64xi32, #tpu.memory_space<vmem>>) semaphore(%arg10 : memref<!tpu.dma_semaphore, #tpu.memory_space<semaphore_mem>>)
    %dma_start3A_5 = arith.constant 0 : i32
    %dma_start3A_6 = arith.constant 0 : i32
    %dma_start3A_7 = tpu.memref_slice %arg6[%dma_start3A_5, %dma_start3A_6] : memref<6144x128xf32, #tpu.memory_space<hbm>> -> memref<6144x128xf32, #tpu.memory_space<hbm>>
    tpu.enqueue_indirect_dma source(%arg9 : memref<64x128xf32, #tpu.memory_space<vmem>>) target(%dma_start3A_7 : memref<6144x128xf32, #tpu.memory_space<hbm>>) offsets(%arg7 : memref<64xi32, #tpu.memory_space<vmem>>) semaphore(%arg11 : memref<!tpu.dma_semaphore, #tpu.memory_space<semaphore_mem>>)
    %dma_wait3A = arith.constant 0 : i32
    %dma_wait3A_8 = arith.constant 0 : i32
    %dma_wait3A_9 = tpu.memref_slice %arg5[%dma_wait3A, %dma_wait3A_8] : memref<6144x768xf32, #tpu.memory_space<hbm>> -> memref<6144x768xf32, #tpu.memory_space<hbm>>
    tpu.wait_indirect_dma semaphore(%arg10 : memref<!tpu.dma_semaphore, #tpu.memory_space<semaphore_mem>>) src(%arg8 : memref<64x768xf32, #tpu.memory_space<vmem>>) dst(%dma_wait3A_9 : memref<6144x768xf32, #tpu.memory_space<hbm>>)
    %dma_wait3A_10 = arith.constant 0 : i32
    %dma_wait3A_11 = arith.constant 0 : i32
    %dma_wait3A_12 = tpu.memref_slice %arg6[%dma_wait3A_10, %dma_wait3A_11] : memref<6144x128xf32, #tpu.memory_space<hbm>> -> memref<6144x128xf32, #tpu.memory_space<hbm>>
    tpu.wait_indirect_dma semaphore(%arg11 : memref<!tpu.dma_semaphore, #tpu.memory_space<semaphore_mem>>) src(%arg9 : memref<64x128xf32, #tpu.memory_space<vmem>>) dst(%dma_wait3A_12 : memref<6144x128xf32, #tpu.memory_space<hbm>>)
    return
  }
}

module attributes {stable_mosaic.version = 14 : i64} {
  func.func @_mlp_body(%arg0: i32, %arg1: memref<12xi32, #tpu.memory_space<smem>>, %arg2: memref<12xi32, #tpu.memory_space<smem>>, %arg3: memref<512x768xf32, #tpu.memory_space<vmem>>, %arg4: memref<512x128xf32, #tpu.memory_space<vmem>>, %arg5: memref<1x768x3072xf32, #tpu.memory_space<vmem>>, %arg6: memref<8x3072xf32, #tpu.memory_space<vmem>>, %arg7: memref<1x3072x768xf32, #tpu.memory_space<vmem>>, %arg8: memref<8x768xf32, #tpu.memory_space<vmem>>, %arg9: memref<512x768xf32, #tpu.memory_space<vmem>>) attributes {dimension_semantics = [#tpu.dimension_semantics<arbitrary>], iteration_bounds = array<i64: 12>, scalar_prefetch = 2 : i64, scratch_operands = 0 : i64, tpu.core_type = #tpu.core_type<tc>, window_params = [{transform_indices = @transform_0, window_bounds = array<i64: 512, 768>}, {transform_indices = @transform_1, window_bounds = array<i64: 512, 128>}, {transform_indices = @transform_2, window_bounds = array<i64: 1, 768, 3072>}, {pipeline_mode = #tpu.pipeline_mode<synchronous>, transform_indices = @transform_3, window_bounds = array<i64: 8, 3072>}, {transform_indices = @transform_4, window_bounds = array<i64: 1, 3072, 768>}, {pipeline_mode = #tpu.pipeline_mode<synchronous>, transform_indices = @transform_5, window_bounds = array<i64: 8, 768>}, {transform_indices = @transform_6, window_bounds = array<i64: 512, 768>}]} {
    %get3A = arith.index_cast %arg0 : i32 to index
    %get3A_0 = memref.load %arg2[%get3A] : memref<12xi32, #tpu.memory_space<smem>>
    %eq3A = arith.constant 1 : i32
    %eq3A_1 = arith.cmpi eq, %get3A_0, %eq3A : i32
    %convert_element_type3A = arith.extui %eq3A_1 : i1 to i32
    %cond3A = arith.constant 0 : i32
    %cond3A_2 = arith.cmpi ne, %convert_element_type3A, %cond3A : i32
    scf.if %cond3A_2 {
      %get3A_3 = arith.index_cast %arg0 : i32 to index
      %get3A_4 = memref.load %arg1[%get3A_3] : memref<12xi32, #tpu.memory_space<smem>>
      %get3A_5 = arith.constant 0 : index
      %get3A_6 = arith.constant 0 : index
      %get3A_7 = vector.load %arg3[%get3A_5, %get3A_6] : memref<512x768xf32, #tpu.memory_space<vmem>>, vector<512x768xf32>
      %get3A_8 = arith.constant 0 : index
      %get3A_9 = arith.constant 0 : index
      %get3A_10 = vector.load %arg4[%get3A_8, %get3A_9] : memref<512x128xf32, #tpu.memory_space<vmem>>, vector<512x1xf32>
      %broadcast_in_dim3A = arith.constant 0.000000e+00 : f32
      %broadcast_in_dim3A_11 = vector.broadcast %broadcast_in_dim3A : f32 to vector<512x768xf32>
      %get3A_12 = arith.constant 0 : index
      %get3A_13 = arith.constant 0 : index
      %get3A_14 = arith.constant 0 : index
      %get3A_15 = vector.load %arg5[%get3A_12, %get3A_13, %get3A_14] : memref<1x768x3072xf32, #tpu.memory_space<vmem>>, vector<1x768x768xf32>
      %get3A_16 = vector.shape_cast %get3A_15 : vector<1x768x768xf32> to vector<768x768xf32>
      %dot_general3A = arith.constant dense<0.000000e+00> : vector<512x768xf32>
      %dot_general3A_17 = tpu.matmul %get3A_7, %get3A_16, %dot_general3A {dimension_numbers = #tpu.dot_dimension_numbers<[1], [0], [0], [1], [0, 0, 1, 1], [], []>, transpose_lhs_hint = false} : vector<512x768xf32>, vector<768x768xf32>, vector<512x768xf32> -> vector<512x768xf32>
      %get3A_18 = arith.index_cast %get3A_4 : i32 to index
      %get3A_19 = arith.constant 0 : index
      %get3A_20 = vector.load %arg6[%get3A_18, %get3A_19] : memref<8x3072xf32, #tpu.memory_space<vmem>>, vector<1x768xf32>
      %add3A = vector.broadcast %get3A_20 : vector<1x768xf32> to vector<512x768xf32>
      %add3A_21 = arith.addf %dot_general3A_17, %add3A : vector<512x768xf32>
      %integer_pow3A = arith.mulf %add3A_21, %add3A_21 : vector<512x768xf32>
      %integer_pow3A_22 = arith.mulf %add3A_21, %integer_pow3A : vector<512x768xf32>
      %mul3A = arith.constant 4.471500e-02 : f32
      %mul3A_23 = vector.broadcast %mul3A : f32 to vector<512x768xf32>
      %mul3A_24 = arith.mulf %mul3A_23, %integer_pow3A_22 : vector<512x768xf32>
      %add3A_25 = arith.addf %add3A_21, %mul3A_24 : vector<512x768xf32>
      %mul3A_26 = arith.constant 0.797884583 : f32
      %mul3A_27 = vector.broadcast %mul3A_26 : f32 to vector<512x768xf32>
      %mul3A_28 = arith.mulf %mul3A_27, %add3A_25 : vector<512x768xf32>
      %tanh3A = math.tanh %mul3A_28 : vector<512x768xf32>
      %add3A_29 = arith.constant 1.000000e+00 : f32
      %add3A_30 = vector.broadcast %add3A_29 : f32 to vector<512x768xf32>
      %add3A_31 = arith.addf %add3A_30, %tanh3A : vector<512x768xf32>
      %mul3A_32 = arith.constant 5.000000e-01 : f32
      %mul3A_33 = vector.broadcast %mul3A_32 : f32 to vector<512x768xf32>
      %mul3A_34 = arith.mulf %mul3A_33, %add3A_31 : vector<512x768xf32>
      %mul3A_35 = arith.mulf %add3A_21, %mul3A_34 : vector<512x768xf32>
      %get3A_36 = arith.constant 0 : index
      %get3A_37 = arith.constant 0 : index
      %get3A_38 = arith.constant 0 : index
      %get3A_39 = vector.load %arg7[%get3A_36, %get3A_37, %get3A_38] : memref<1x3072x768xf32, #tpu.memory_space<vmem>>, vector<1x768x768xf32>
      %get3A_40 = vector.shape_cast %get3A_39 : vector<1x768x768xf32> to vector<768x768xf32>
      %dot_general3A_41 = arith.constant dense<0.000000e+00> : vector<512x768xf32>
      %dot_general3A_42 = tpu.matmul %mul3A_35, %get3A_40, %dot_general3A_41 {dimension_numbers = #tpu.dot_dimension_numbers<[1], [0], [0], [1], [0, 0, 1, 1], [], []>, transpose_lhs_hint = false} : vector<512x768xf32>, vector<768x768xf32>, vector<512x768xf32> -> vector<512x768xf32>
      %add3A_43 = arith.addf %broadcast_in_dim3A_11, %dot_general3A_42 : vector<512x768xf32>
      %get3A_44 = arith.constant 0 : index
      %get3A_45 = arith.constant 0 : index
      %get3A_46 = arith.constant 768 : index
      %get3A_47 = vector.load %arg5[%get3A_44, %get3A_45, %get3A_46] : memref<1x768x3072xf32, #tpu.memory_space<vmem>>, vector<1x768x768xf32>
      %get3A_48 = vector.shape_cast %get3A_47 : vector<1x768x768xf32> to vector<768x768xf32>
      %dot_general3A_49 = arith.constant dense<0.000000e+00> : vector<512x768xf32>
      %dot_general3A_50 = tpu.matmul %get3A_7, %get3A_48, %dot_general3A_49 {dimension_numbers = #tpu.dot_dimension_numbers<[1], [0], [0], [1], [0, 0, 1, 1], [], []>, transpose_lhs_hint = false} : vector<512x768xf32>, vector<768x768xf32>, vector<512x768xf32> -> vector<512x768xf32>
      %get3A_51 = arith.index_cast %get3A_4 : i32 to index
      %get3A_52 = arith.constant 768 : index
      %get3A_53 = vector.load %arg6[%get3A_51, %get3A_52] : memref<8x3072xf32, #tpu.memory_space<vmem>>, vector<1x768xf32>
      %add3A_54 = vector.broadcast %get3A_53 : vector<1x768xf32> to vector<512x768xf32>
      %add3A_55 = arith.addf %dot_general3A_50, %add3A_54 : vector<512x768xf32>
      %integer_pow3A_56 = arith.mulf %add3A_55, %add3A_55 : vector<512x768xf32>
      %integer_pow3A_57 = arith.mulf %add3A_55, %integer_pow3A_56 : vector<512x768xf32>
      %mul3A_58 = arith.constant 4.471500e-02 : f32
      %mul3A_59 = vector.broadcast %mul3A_58 : f32 to vector<512x768xf32>
      %mul3A_60 = arith.mulf %mul3A_59, %integer_pow3A_57 : vector<512x768xf32>
      %add3A_61 = arith.addf %add3A_55, %mul3A_60 : vector<512x768xf32>
      %mul3A_62 = arith.constant 0.797884583 : f32
      %mul3A_63 = vector.broadcast %mul3A_62 : f32 to vector<512x768xf32>
      %mul3A_64 = arith.mulf %mul3A_63, %add3A_61 : vector<512x768xf32>
      %tanh3A_65 = math.tanh %mul3A_64 : vector<512x768xf32>
      %add3A_66 = arith.constant 1.000000e+00 : f32
      %add3A_67 = vector.broadcast %add3A_66 : f32 to vector<512x768xf32>
      %add3A_68 = arith.addf %add3A_67, %tanh3A_65 : vector<512x768xf32>
      %mul3A_69 = arith.constant 5.000000e-01 : f32
      %mul3A_70 = vector.broadcast %mul3A_69 : f32 to vector<512x768xf32>
      %mul3A_71 = arith.mulf %mul3A_70, %add3A_68 : vector<512x768xf32>
      %mul3A_72 = arith.mulf %add3A_55, %mul3A_71 : vector<512x768xf32>
      %get3A_73 = arith.constant 0 : index
      %get3A_74 = arith.constant 768 : index
      %get3A_75 = arith.constant 0 : index
      %get3A_76 = vector.load %arg7[%get3A_73, %get3A_74, %get3A_75] : memref<1x3072x768xf32, #tpu.memory_space<vmem>>, vector<1x768x768xf32>
      %get3A_77 = vector.shape_cast %get3A_76 : vector<1x768x768xf32> to vector<768x768xf32>
      %dot_general3A_78 = arith.constant dense<0.000000e+00> : vector<512x768xf32>
      %dot_general3A_79 = tpu.matmul %mul3A_72, %get3A_77, %dot_general3A_78 {dimension_numbers = #tpu.dot_dimension_numbers<[1], [0], [0], [1], [0, 0, 1, 1], [], []>, transpose_lhs_hint = false} : vector<512x768xf32>, vector<768x768xf32>, vector<512x768xf32> -> vector<512x768xf32>
      %add3A_80 = arith.addf %add3A_43, %dot_general3A_79 : vector<512x768xf32>
      %get3A_81 = arith.constant 0 : index
      %get3A_82 = arith.constant 0 : index
      %get3A_83 = arith.constant 1536 : index
      %get3A_84 = vector.load %arg5[%get3A_81, %get3A_82, %get3A_83] : memref<1x768x3072xf32, #tpu.memory_space<vmem>>, vector<1x768x768xf32>
      %get3A_85 = vector.shape_cast %get3A_84 : vector<1x768x768xf32> to vector<768x768xf32>
      %dot_general3A_86 = arith.constant dense<0.000000e+00> : vector<512x768xf32>
      %dot_general3A_87 = tpu.matmul %get3A_7, %get3A_85, %dot_general3A_86 {dimension_numbers = #tpu.dot_dimension_numbers<[1], [0], [0], [1], [0, 0, 1, 1], [], []>, transpose_lhs_hint = false} : vector<512x768xf32>, vector<768x768xf32>, vector<512x768xf32> -> vector<512x768xf32>
      %get3A_88 = arith.index_cast %get3A_4 : i32 to index
      %get3A_89 = arith.constant 1536 : index
      %get3A_90 = vector.load %arg6[%get3A_88, %get3A_89] : memref<8x3072xf32, #tpu.memory_space<vmem>>, vector<1x768xf32>
      %add3A_91 = vector.broadcast %get3A_90 : vector<1x768xf32> to vector<512x768xf32>
      %add3A_92 = arith.addf %dot_general3A_87, %add3A_91 : vector<512x768xf32>
      %integer_pow3A_93 = arith.mulf %add3A_92, %add3A_92 : vector<512x768xf32>
      %integer_pow3A_94 = arith.mulf %add3A_92, %integer_pow3A_93 : vector<512x768xf32>
      %mul3A_95 = arith.constant 4.471500e-02 : f32
      %mul3A_96 = vector.broadcast %mul3A_95 : f32 to vector<512x768xf32>
      %mul3A_97 = arith.mulf %mul3A_96, %integer_pow3A_94 : vector<512x768xf32>
      %add3A_98 = arith.addf %add3A_92, %mul3A_97 : vector<512x768xf32>
      %mul3A_99 = arith.constant 0.797884583 : f32
      %mul3A_100 = vector.broadcast %mul3A_99 : f32 to vector<512x768xf32>
      %mul3A_101 = arith.mulf %mul3A_100, %add3A_98 : vector<512x768xf32>
      %tanh3A_102 = math.tanh %mul3A_101 : vector<512x768xf32>
      %add3A_103 = arith.constant 1.000000e+00 : f32
      %add3A_104 = vector.broadcast %add3A_103 : f32 to vector<512x768xf32>
      %add3A_105 = arith.addf %add3A_104, %tanh3A_102 : vector<512x768xf32>
      %mul3A_106 = arith.constant 5.000000e-01 : f32
      %mul3A_107 = vector.broadcast %mul3A_106 : f32 to vector<512x768xf32>
      %mul3A_108 = arith.mulf %mul3A_107, %add3A_105 : vector<512x768xf32>
      %mul3A_109 = arith.mulf %add3A_92, %mul3A_108 : vector<512x768xf32>
      %get3A_110 = arith.constant 0 : index
      %get3A_111 = arith.constant 1536 : index
      %get3A_112 = arith.constant 0 : index
      %get3A_113 = vector.load %arg7[%get3A_110, %get3A_111, %get3A_112] : memref<1x3072x768xf32, #tpu.memory_space<vmem>>, vector<1x768x768xf32>
      %get3A_114 = vector.shape_cast %get3A_113 : vector<1x768x768xf32> to vector<768x768xf32>
      %dot_general3A_115 = arith.constant dense<0.000000e+00> : vector<512x768xf32>
      %dot_general3A_116 = tpu.matmul %mul3A_109, %get3A_114, %dot_general3A_115 {dimension_numbers = #tpu.dot_dimension_numbers<[1], [0], [0], [1], [0, 0, 1, 1], [], []>, transpose_lhs_hint = false} : vector<512x768xf32>, vector<768x768xf32>, vector<512x768xf32> -> vector<512x768xf32>
      %add3A_117 = arith.addf %add3A_80, %dot_general3A_116 : vector<512x768xf32>
      %get3A_118 = arith.constant 0 : index
      %get3A_119 = arith.constant 0 : index
      %get3A_120 = arith.constant 2304 : index
      %get3A_121 = vector.load %arg5[%get3A_118, %get3A_119, %get3A_120] : memref<1x768x3072xf32, #tpu.memory_space<vmem>>, vector<1x768x768xf32>
      %get3A_122 = vector.shape_cast %get3A_121 : vector<1x768x768xf32> to vector<768x768xf32>
      %dot_general3A_123 = arith.constant dense<0.000000e+00> : vector<512x768xf32>
      %dot_general3A_124 = tpu.matmul %get3A_7, %get3A_122, %dot_general3A_123 {dimension_numbers = #tpu.dot_dimension_numbers<[1], [0], [0], [1], [0, 0, 1, 1], [], []>, transpose_lhs_hint = false} : vector<512x768xf32>, vector<768x768xf32>, vector<512x768xf32> -> vector<512x768xf32>
      %get3A_125 = arith.index_cast %get3A_4 : i32 to index
      %get3A_126 = arith.constant 2304 : index
      %get3A_127 = vector.load %arg6[%get3A_125, %get3A_126] : memref<8x3072xf32, #tpu.memory_space<vmem>>, vector<1x768xf32>
      %add3A_128 = vector.broadcast %get3A_127 : vector<1x768xf32> to vector<512x768xf32>
      %add3A_129 = arith.addf %dot_general3A_124, %add3A_128 : vector<512x768xf32>
      %integer_pow3A_130 = arith.mulf %add3A_129, %add3A_129 : vector<512x768xf32>
      %integer_pow3A_131 = arith.mulf %add3A_129, %integer_pow3A_130 : vector<512x768xf32>
      %mul3A_132 = arith.constant 4.471500e-02 : f32
      %mul3A_133 = vector.broadcast %mul3A_132 : f32 to vector<512x768xf32>
      %mul3A_134 = arith.mulf %mul3A_133, %integer_pow3A_131 : vector<512x768xf32>
      %add3A_135 = arith.addf %add3A_129, %mul3A_134 : vector<512x768xf32>
      %mul3A_136 = arith.constant 0.797884583 : f32
      %mul3A_137 = vector.broadcast %mul3A_136 : f32 to vector<512x768xf32>
      %mul3A_138 = arith.mulf %mul3A_137, %add3A_135 : vector<512x768xf32>
      %tanh3A_139 = math.tanh %mul3A_138 : vector<512x768xf32>
      %add3A_140 = arith.constant 1.000000e+00 : f32
      %add3A_141 = vector.broadcast %add3A_140 : f32 to vector<512x768xf32>
      %add3A_142 = arith.addf %add3A_141, %tanh3A_139 : vector<512x768xf32>
      %mul3A_143 = arith.constant 5.000000e-01 : f32
      %mul3A_144 = vector.broadcast %mul3A_143 : f32 to vector<512x768xf32>
      %mul3A_145 = arith.mulf %mul3A_144, %add3A_142 : vector<512x768xf32>
      %mul3A_146 = arith.mulf %add3A_129, %mul3A_145 : vector<512x768xf32>
      %get3A_147 = arith.constant 0 : index
      %get3A_148 = arith.constant 2304 : index
      %get3A_149 = arith.constant 0 : index
      %get3A_150 = vector.load %arg7[%get3A_147, %get3A_148, %get3A_149] : memref<1x3072x768xf32, #tpu.memory_space<vmem>>, vector<1x768x768xf32>
      %get3A_151 = vector.shape_cast %get3A_150 : vector<1x768x768xf32> to vector<768x768xf32>
      %dot_general3A_152 = arith.constant dense<0.000000e+00> : vector<512x768xf32>
      %dot_general3A_153 = tpu.matmul %mul3A_146, %get3A_151, %dot_general3A_152 {dimension_numbers = #tpu.dot_dimension_numbers<[1], [0], [0], [1], [0, 0, 1, 1], [], []>, transpose_lhs_hint = false} : vector<512x768xf32>, vector<768x768xf32>, vector<512x768xf32> -> vector<512x768xf32>
      %add3A_154 = arith.addf %add3A_117, %dot_general3A_153 : vector<512x768xf32>
      %get3A_155 = arith.index_cast %get3A_4 : i32 to index
      %get3A_156 = arith.constant 0 : index
      %get3A_157 = vector.load %arg8[%get3A_155, %get3A_156] : memref<8x768xf32, #tpu.memory_space<vmem>>, vector<1x768xf32>
      %add3A_158 = vector.broadcast %get3A_157 : vector<1x768xf32> to vector<512x768xf32>
      %add3A_159 = arith.addf %add3A_154, %add3A_158 : vector<512x768xf32>
      %mul3A_160 = vector.broadcast %get3A_10 : vector<512x1xf32> to vector<512x768xf32>
      %mul3A_161 = arith.mulf %add3A_159, %mul3A_160 : vector<512x768xf32>
      %swap3A = arith.constant 0 : index
      %swap3A_162 = arith.constant 0 : index
      %swap3A_163 = vector.load %arg9[%swap3A, %swap3A_162] : memref<512x768xf32, #tpu.memory_space<vmem>>, vector<512x768xf32>
      tpu.vector_store %arg9[%swap3A, %swap3A_162], %mul3A_161 {strides = array<i32>} : memref<512x768xf32, #tpu.memory_space<vmem>>, vector<512x768xf32>,
    } else {
    }
    return
  }
  func.func @transform_0(%arg0: i32, %arg1: memref<12xi32, #tpu.memory_space<smem>>, %arg2: memref<12xi32, #tpu.memory_space<smem>>) -> (i32, i32) {
    %c0_i32 = arith.constant 0 : i32
    %c0_i32_0 = arith.constant 0 : i32
    return %arg0, %c0_i32 : i32, i32
  }
  func.func @transform_1(%arg0: i32, %arg1: memref<12xi32, #tpu.memory_space<smem>>, %arg2: memref<12xi32, #tpu.memory_space<smem>>) -> (i32, i32) {
    %c0_i32 = arith.constant 0 : i32
    %c0_i32_0 = arith.constant 0 : i32
    return %arg0, %c0_i32 : i32, i32
  }
  func.func @transform_2(%arg0: i32, %arg1: memref<12xi32, #tpu.memory_space<smem>>, %arg2: memref<12xi32, #tpu.memory_space<smem>>) -> (i32, i32, i32) {
    %get3A = arith.index_cast %arg0 : i32 to index
    %get3A_0 = memref.load %arg1[%get3A] : memref<12xi32, #tpu.memory_space<smem>>
    %c0_i32 = arith.constant 0 : i32
    %c0_i32_1 = arith.constant 0 : i32
    %c0_i32_2 = arith.constant 0 : i32
    return %get3A_0, %c0_i32, %c0_i32_1 : i32, i32, i32
  }
  func.func @transform_3(%arg0: i32, %arg1: memref<12xi32, #tpu.memory_space<smem>>, %arg2: memref<12xi32, #tpu.memory_space<smem>>) -> (i32, i32) {
    %c0_i32 = arith.constant 0 : i32
    %c0_i32_0 = arith.constant 0 : i32
    %c0_i32_1 = arith.constant 0 : i32
    return %c0_i32, %c0_i32_0 : i32, i32
  }
  func.func @transform_4(%arg0: i32, %arg1: memref<12xi32, #tpu.memory_space<smem>>, %arg2: memref<12xi32, #tpu.memory_space<smem>>) -> (i32, i32, i32) {
    %get3A = arith.index_cast %arg0 : i32 to index
    %get3A_0 = memref.load %arg1[%get3A] : memref<12xi32, #tpu.memory_space<smem>>
    %c0_i32 = arith.constant 0 : i32
    %c0_i32_1 = arith.constant 0 : i32
    %c0_i32_2 = arith.constant 0 : i32
    return %get3A_0, %c0_i32, %c0_i32_1 : i32, i32, i32
  }
  func.func @transform_5(%arg0: i32, %arg1: memref<12xi32, #tpu.memory_space<smem>>, %arg2: memref<12xi32, #tpu.memory_space<smem>>) -> (i32, i32) {
    %c0_i32 = arith.constant 0 : i32
    %c0_i32_0 = arith.constant 0 : i32
    %c0_i32_1 = arith.constant 0 : i32
    return %c0_i32, %c0_i32_0 : i32, i32
  }
  func.func @transform_6(%arg0: i32, %arg1: memref<12xi32, #tpu.memory_space<smem>>, %arg2: memref<12xi32, #tpu.memory_space<smem>>) -> (i32, i32) {
    %c0_i32 = arith.constant 0 : i32
    %c0_i32_0 = arith.constant 0 : i32
    return %arg0, %c0_i32 : i32, i32
  }
}

module attributes {stable_mosaic.version = 14 : i64} {
  func.func @_router_body(%arg0: i32, %arg1: memref<512x768xf32, #tpu.memory_space<vmem>>, %arg2: memref<768x8xf32, #tpu.memory_space<vmem>>, %arg3: memref<512x8xf32, #tpu.memory_space<vmem>>, %arg4: memref<512x128xf32, #tpu.memory_space<vmem>>, %arg5: memref<1x8xf32, #tpu.memory_space<vmem>>, %arg6: memref<1x8xf32, #tpu.memory_space<vmem>>, %arg7: memref<2048xi32, #tpu.memory_space<vmem>>, %arg8: memref<12xi32, #tpu.memory_space<vmem>>, %arg9: memref<12xi32, #tpu.memory_space<vmem>>, %arg10: memref<1x8xf32, #tpu.memory_space<vmem>>, %arg11: memref<2048xi32, #tpu.memory_space<vmem>>, %arg12: memref<2048xi32, #tpu.memory_space<vmem>>) attributes {dimension_semantics = [#tpu.dimension_semantics<arbitrary>], iteration_bounds = array<i64: 5>, scalar_prefetch = 0 : i64, scratch_operands = 3 : i64, tpu.core_type = #tpu.core_type<tc>, window_params = [{transform_indices = @transform_0, window_bounds = array<i64: 512, 768>}, {pipeline_mode = #tpu.pipeline_mode<synchronous>, transform_indices = @transform_1, window_bounds = array<i64: 768, 8>}, {transform_indices = @transform_2, window_bounds = array<i64: 512, 8>}, {transform_indices = @transform_3, window_bounds = array<i64: 512, 128>}, {pipeline_mode = #tpu.pipeline_mode<synchronous>, transform_indices = @transform_4, window_bounds = array<i64: 1, 8>}, {pipeline_mode = #tpu.pipeline_mode<synchronous>, transform_indices = @transform_5, window_bounds = array<i64: 1, 8>}, {pipeline_mode = #tpu.pipeline_mode<synchronous>, transform_indices = @transform_6, window_bounds = array<i64: 2048>}, {pipeline_mode = #tpu.pipeline_mode<synchronous>, transform_indices = @transform_7, window_bounds = array<i64: 12>}, {pipeline_mode = #tpu.pipeline_mode<synchronous>, transform_indices = @transform_8, window_bounds = array<i64: 12>}]} {
    %eq3A = arith.constant 0 : i32
    %eq3A_0 = arith.cmpi eq, %arg0, %eq3A : i32
    %convert_element_type3A = arith.extui %eq3A_0 : i1 to i32
    %cond3A = arith.constant 0 : i32
    %cond3A_1 = arith.cmpi ne, %convert_element_type3A, %cond3A : i32
    scf.if %cond3A_1 {
      %broadcast_in_dim3A = arith.constant 0.000000e+00 : f32
      %broadcast_in_dim3A_11 = vector.broadcast %broadcast_in_dim3A : f32 to vector<1x8xf32>
      %swap3A = arith.constant 0 : index
      %swap3A_12 = arith.constant 0 : index
      %swap3A_13 = vector.load %arg5[%swap3A, %swap3A_12] : memref<1x8xf32, #tpu.memory_space<vmem>>, vector<1x8xf32>
      tpu.vector_store %arg5[%swap3A, %swap3A_12], %broadcast_in_dim3A_11 {strides = array<i32>} : memref<1x8xf32, #tpu.memory_space<vmem>>, vector<1x8xf32>,
      %broadcast_in_dim3A_14 = arith.constant 0.000000e+00 : f32
      %broadcast_in_dim3A_15 = vector.broadcast %broadcast_in_dim3A_14 : f32 to vector<1x8xf32>
      %swap3A_16 = arith.constant 0 : index
      %swap3A_17 = arith.constant 0 : index
      %swap3A_18 = vector.load %arg6[%swap3A_16, %swap3A_17] : memref<1x8xf32, #tpu.memory_space<vmem>>, vector<1x8xf32>
      tpu.vector_store %arg6[%swap3A_16, %swap3A_17], %broadcast_in_dim3A_15 {strides = array<i32>} : memref<1x8xf32, #tpu.memory_space<vmem>>, vector<1x8xf32>,
      %broadcast_in_dim3A_19 = arith.constant 0.000000e+00 : f32
      %broadcast_in_dim3A_20 = vector.broadcast %broadcast_in_dim3A_19 : f32 to vector<1x8xf32>
      %swap3A_21 = arith.constant 0 : index
      %swap3A_22 = arith.constant 0 : index
      %swap3A_23 = vector.load %arg10[%swap3A_21, %swap3A_22] : memref<1x8xf32, #tpu.memory_space<vmem>>, vector<1x8xf32>
      tpu.vector_store %arg10[%swap3A_21, %swap3A_22], %broadcast_in_dim3A_20 {strides = array<i32>} : memref<1x8xf32, #tpu.memory_space<vmem>>, vector<1x8xf32>,
    } else {
    }
    %lt3A = arith.constant 4 : i32
    %lt3A_2 = arith.cmpi slt, %arg0, %lt3A : i32
    %convert_element_type3A_3 = arith.extui %lt3A_2 : i1 to i32
    %cond3A_4 = arith.constant 0 : i32
    %cond3A_5 = arith.cmpi ne, %convert_element_type3A_3, %cond3A_4 : i32
    scf.if %cond3A_5 {
      %get3A = arith.constant 0 : index
      %get3A_11 = arith.constant 0 : index
      %get3A_12 = vector.load %arg1[%get3A, %get3A_11] : memref<512x768xf32, #tpu.memory_space<vmem>>, vector<512x768xf32>
      %get3A_13 = arith.constant 0 : index
      %get3A_14 = arith.constant 0 : index
      %get3A_15 = vector.load %arg2[%get3A_13, %get3A_14] : memref<768x8xf32, #tpu.memory_space<vmem>>, vector<768x8xf32>
      %dot_general3A = arith.constant dense<0.000000e+00> : vector<512x8xf32>
      %dot_general3A_16 = tpu.matmul %get3A_12, %get3A_15, %dot_general3A {dimension_numbers = #tpu.dot_dimension_numbers<[1], [0], [0], [1], [0, 0, 1, 1], [], []>, transpose_lhs_hint = false} : vector<512x768xf32>, vector<768x8xf32>, vector<512x8xf32> -> vector<512x8xf32>
      %swap3A = arith.constant 0 : index
      %swap3A_17 = arith.constant 0 : index
      %swap3A_18 = vector.load %arg3[%swap3A, %swap3A_17] : memref<512x8xf32, #tpu.memory_space<vmem>>, vector<512x8xf32>
      tpu.vector_store %arg3[%swap3A, %swap3A_17], %dot_general3A_16 {strides = array<i32>} : memref<512x8xf32, #tpu.memory_space<vmem>>, vector<512x8xf32>,
      %reduce_max3A = arith.constant dense<0xFF800000> : vector<512xf32>
      %reduce_max3A_19 = vector.multi_reduction <maximumf>, %dot_general3A_16, %reduce_max3A [1] : vector<512x8xf32> to vector<512xf32>
      %broadcast_in_dim3A = vector.shape_cast %reduce_max3A_19 : vector<512xf32> to vector<512x1xf32>
      %sub3A = vector.broadcast %broadcast_in_dim3A : vector<512x1xf32> to vector<512x8xf32>
      %sub3A_20 = arith.subf %dot_general3A_16, %sub3A : vector<512x8xf32>
      %exp3A = math.exp %sub3A_20 : vector<512x8xf32>
      %reduce_sum3A = arith.constant dense<0.000000e+00> : vector<512xf32>
      %reduce_sum3A_21 = vector.multi_reduction <add>, %exp3A, %reduce_sum3A [1] : vector<512x8xf32> to vector<512xf32>
      %broadcast_in_dim3A_22 = vector.shape_cast %reduce_sum3A_21 : vector<512xf32> to vector<512x1xf32>
      %div3A = vector.broadcast %broadcast_in_dim3A_22 : vector<512x1xf32> to vector<512x8xf32>
      %div3A_23 = arith.divf %exp3A, %div3A : vector<512x8xf32>
      %reduce_max3A_24 = arith.constant dense<0xFF800000> : vector<512xf32>
      %reduce_max3A_25 = vector.multi_reduction <maximumf>, %div3A_23, %reduce_max3A_24 [1] : vector<512x8xf32> to vector<512xf32>
      %broadcast_in_dim3A_26 = vector.shape_cast %reduce_max3A_25 : vector<512xf32> to vector<512x1xf32>
      %iota3A = tpu.iota {dimensions = array<i32: 1>} : vector<512x8xi32>
      %eq3A_27 = vector.broadcast %broadcast_in_dim3A_26 : vector<512x1xf32> to vector<512x8xf32>
      %eq3A_28 = arith.cmpf oeq, %div3A_23, %eq3A_27 : vector<512x8xf32>
      %jit3A = arith.constant 8 : i32
      %broadcast_in_dim3A_29 = vector.broadcast %jit3A : i32 to vector<512x8xi32>
      %select_n3A = arith.select %eq3A_28, %iota3A, %broadcast_in_dim3A_29 : vector<512x8xi1>, vector<512x8xi32>
      %reduce_min3A = arith.constant dense<2147483647> : vector<512xi32>
      %reduce_min3A_30 = vector.multi_reduction <minsi>, %select_n3A, %reduce_min3A [1] : vector<512x8xi32> to vector<512xi32>
      %broadcast_in_dim3A_31 = vector.shape_cast %reduce_min3A_30 : vector<512xi32> to vector<512x1xi32>
      %eq3A_32 = vector.broadcast %broadcast_in_dim3A_31 : vector<512x1xi32> to vector<512x8xi32>
      %eq3A_33 = arith.cmpi eq, %iota3A, %eq3A_32 : vector<512x8xi32>
      %convert_element_type3A_34 = arith.extui %eq3A_33 : vector<512x8xi1> to vector<512x8xi32>
      %convert_element_type3A_35 = arith.sitofp %convert_element_type3A_34 : vector<512x8xi32> to vector<512x8xf32>
      %iota3A_36 = tpu.iota {dimensions = array<i32: 0>} : vector<512x512xi32>
      %iota3A_37 = tpu.iota {dimensions = array<i32: 1>} : vector<512x512xi32>
      %gt3A = arith.cmpi sgt, %iota3A_36, %iota3A_37 : vector<512x512xi32>
      %convert_element_type3A_38 = arith.extui %gt3A : vector<512x512xi1> to vector<512x512xi32>
      %convert_element_type3A_39 = arith.sitofp %convert_element_type3A_38 : vector<512x512xi32> to vector<512x512xf32>
      %dot_general3A_40 = arith.constant dense<0.000000e+00> : vector<512x8xf32>
      %dot_general3A_41 = tpu.matmul %convert_element_type3A_39, %convert_element_type3A_35, %dot_general3A_40 {dimension_numbers = #tpu.dot_dimension_numbers<[1], [0], [0], [1], [0, 0, 1, 1], [], []>, transpose_lhs_hint = false} : vector<512x512xf32>, vector<512x8xf32>, vector<512x8xf32> -> vector<512x8xf32>
      %get3A_42 = arith.constant 0 : index
      %get3A_43 = arith.constant 0 : index
      %get3A_44 = vector.load %arg10[%get3A_42, %get3A_43] : memref<1x8xf32, #tpu.memory_space<vmem>>, vector<1x8xf32>
      %add3A = vector.broadcast %get3A_44 : vector<1x8xf32> to vector<512x8xf32>
      %add3A_45 = arith.addf %add3A, %dot_general3A_41 : vector<512x8xf32>
      %mul3A = arith.mulf %convert_element_type3A_35, %add3A_45 : vector<512x8xf32>
      %reduce_sum3A_46 = arith.constant dense<0.000000e+00> : vector<512xf32>
      %reduce_sum3A_47 = vector.multi_reduction <add>, %mul3A, %reduce_sum3A_46 [1] : vector<512x8xf32> to vector<512xf32>
      %mul3A_48 = arith.constant 512 : i32
      %mul3A_49 = arith.muli %arg0, %mul3A_48 : i32
      %swap3A_50 = arith.index_cast %mul3A_49 : i32 to index
      %swap3A_51 = vector.load %arg11[%swap3A_50] : memref<2048xi32, #tpu.memory_space<vmem>>, vector<512xi32>
      tpu.vector_store %arg11[%swap3A_50], %reduce_min3A_30 {strides = array<i32>} : memref<2048xi32, #tpu.memory_space<vmem>>, vector<512xi32>,
      %convert_element_type3A_52 = arith.fptosi %reduce_sum3A_47 : vector<512xf32> to vector<512xi32>
      %mul3A_53 = arith.constant 512 : i32
      %mul3A_54 = arith.muli %arg0, %mul3A_53 : i32
      %swap3A_55 = arith.index_cast %mul3A_54 : i32 to index
      %swap3A_56 = vector.load %arg12[%swap3A_55] : memref<2048xi32, #tpu.memory_space<vmem>>, vector<512xi32>
      tpu.vector_store %arg12[%swap3A_55], %convert_element_type3A_52 {strides = array<i32>} : memref<2048xi32, #tpu.memory_space<vmem>>, vector<512xi32>,
      %get3A_57 = arith.constant 0 : index
      %get3A_58 = arith.constant 0 : index
      %get3A_59 = vector.load %arg5[%get3A_57, %get3A_58] : memref<1x8xf32, #tpu.memory_space<vmem>>, vector<1x8xf32>
      %reduce_sum3A_60 = arith.constant dense<0.000000e+00> : vector<8xf32>
      %reduce_sum3A_61 = vector.multi_reduction <add>, %convert_element_type3A_35, %reduce_sum3A_60 [0] : vector<512x8xf32> to vector<8xf32>
      %broadcast_in_dim3A_62 = vector.shape_cast %reduce_sum3A_61 : vector<8xf32> to vector<1x8xf32>
      %add3A_63 = arith.addf %get3A_59, %broadcast_in_dim3A_62 : vector<1x8xf32>
      %swap3A_64 = arith.constant 0 : index
      %swap3A_65 = arith.constant 0 : index
      %swap3A_66 = vector.load %arg5[%swap3A_64, %swap3A_65] : memref<1x8xf32, #tpu.memory_space<vmem>>, vector<1x8xf32>
      tpu.vector_store %arg5[%swap3A_64, %swap3A_65], %add3A_63 {strides = array<i32>} : memref<1x8xf32, #tpu.memory_space<vmem>>, vector<1x8xf32>,
      %get3A_67 = arith.constant 0 : index
      %get3A_68 = arith.constant 0 : index
      %get3A_69 = vector.load %arg6[%get3A_67, %get3A_68] : memref<1x8xf32, #tpu.memory_space<vmem>>, vector<1x8xf32>
      %reduce_sum3A_70 = arith.constant dense<0.000000e+00> : vector<8xf32>
      %reduce_sum3A_71 = vector.multi_reduction <add>, %div3A_23, %reduce_sum3A_70 [0] : vector<512x8xf32> to vector<8xf32>
      %broadcast_in_dim3A_72 = vector.shape_cast %reduce_sum3A_71 : vector<8xf32> to vector<1x8xf32>
      %add3A_73 = arith.addf %get3A_69, %broadcast_in_dim3A_72 : vector<1x8xf32>
      %swap3A_74 = arith.constant 0 : index
      %swap3A_75 = arith.constant 0 : index
      %swap3A_76 = vector.load %arg6[%swap3A_74, %swap3A_75] : memref<1x8xf32, #tpu.memory_space<vmem>>, vector<1x8xf32>
      tpu.vector_store %arg6[%swap3A_74, %swap3A_75], %add3A_73 {strides = array<i32>} : memref<1x8xf32, #tpu.memory_space<vmem>>, vector<1x8xf32>,
      %get3A_77 = arith.constant 0 : index
      %get3A_78 = arith.constant 0 : index
      %get3A_79 = vector.load %arg10[%get3A_77, %get3A_78] : memref<1x8xf32, #tpu.memory_space<vmem>>, vector<1x8xf32>
      %reduce_sum3A_80 = arith.constant dense<0.000000e+00> : vector<8xf32>
      %reduce_sum3A_81 = vector.multi_reduction <add>, %convert_element_type3A_35, %reduce_sum3A_80 [0] : vector<512x8xf32> to vector<8xf32>
      %broadcast_in_dim3A_82 = vector.shape_cast %reduce_sum3A_81 : vector<8xf32> to vector<1x8xf32>
      %add3A_83 = arith.addf %get3A_79, %broadcast_in_dim3A_82 : vector<1x8xf32>
      %swap3A_84 = arith.constant 0 : index
      %swap3A_85 = arith.constant 0 : index
      %swap3A_86 = vector.load %arg10[%swap3A_84, %swap3A_85] : memref<1x8xf32, #tpu.memory_space<vmem>>, vector<1x8xf32>
      tpu.vector_store %arg10[%swap3A_84, %swap3A_85], %add3A_83 {strides = array<i32>} : memref<1x8xf32, #tpu.memory_space<vmem>>, vector<1x8xf32>,
      %broadcast_in_dim3A_87 = vector.shape_cast %broadcast_in_dim3A_26 : vector<512x1xf32> to vector<512x1xf32>
      %broadcast_in_dim3A_88 = vector.broadcast %broadcast_in_dim3A_87 : vector<512x1xf32> to vector<512x128xf32>
      %swap3A_89 = arith.constant 0 : index
      %swap3A_90 = arith.constant 0 : index
      %swap3A_91 = vector.load %arg4[%swap3A_89, %swap3A_90] : memref<512x128xf32, #tpu.memory_space<vmem>>, vector<512x128xf32>
      tpu.vector_store %arg4[%swap3A_89, %swap3A_90], %broadcast_in_dim3A_88 {strides = array<i32>} : memref<512x128xf32, #tpu.memory_space<vmem>>, vector<512x128xf32>,
    } else {
    }
    %eq3A_6 = arith.constant 4 : i32
    %eq3A_7 = arith.cmpi eq, %arg0, %eq3A_6 : i32
    %convert_element_type3A_8 = arith.extui %eq3A_7 : i1 to i32
    %cond3A_9 = arith.constant 0 : i32
    %cond3A_10 = arith.cmpi ne, %convert_element_type3A_8, %cond3A_9 : i32
    scf.if %cond3A_10 {
      %get3A = arith.constant 0 : index
      %get3A_11 = arith.constant 0 : index
      %get3A_12 = vector.load %arg5[%get3A, %get3A_11] : memref<1x8xf32, #tpu.memory_space<vmem>>, vector<1x8xf32>
      %add3A = arith.constant 5.110000e+02 : f32
      %add3A_13 = vector.broadcast %add3A : f32 to vector<1x8xf32>
      %add3A_14 = arith.addf %get3A_12, %add3A_13 : vector<1x8xf32>
      %mul3A = arith.constant 0.001953125 : f32
      %mul3A_15 = vector.broadcast %mul3A : f32 to vector<1x8xf32>
      %mul3A_16 = arith.mulf %add3A_14, %mul3A_15 : vector<1x8xf32>
      %floor3A = math.floor %mul3A_16 : vector<1x8xf32>
      %iota3A = tpu.iota {dimensions = array<i32: 0>} : vector<8x8xi32>
      %iota3A_17 = tpu.iota {dimensions = array<i32: 1>} : vector<8x8xi32>
      %lt3A_18 = arith.cmpi slt, %iota3A, %iota3A_17 : vector<8x8xi32>
      %convert_element_type3A_19 = arith.extui %lt3A_18 : vector<8x8xi1> to vector<8x8xi32>
      %convert_element_type3A_20 = arith.sitofp %convert_element_type3A_19 : vector<8x8xi32> to vector<8x8xf32>
      %iota3A_21 = tpu.iota {dimensions = array<i32: 0>} : vector<8x8xi32>
      %iota3A_22 = tpu.iota {dimensions = array<i32: 1>} : vector<8x8xi32>
      %le3A = arith.cmpi sle, %iota3A_21, %iota3A_22 : vector<8x8xi32>
      %convert_element_type3A_23 = arith.extui %le3A : vector<8x8xi1> to vector<8x8xi32>
      %convert_element_type3A_24 = arith.sitofp %convert_element_type3A_23 : vector<8x8xi32> to vector<8x8xf32>
      %mul3A_25 = arith.constant 5.120000e+02 : f32
      %mul3A_26 = vector.broadcast %mul3A_25 : f32 to vector<1x8xf32>
      %mul3A_27 = arith.mulf %floor3A, %mul3A_26 : vector<1x8xf32>
      %dot_general3A = arith.constant dense<0.000000e+00> : vector<1x8xf32>
      %dot_general3A_28 = tpu.matmul %mul3A_27, %convert_element_type3A_20, %dot_general3A {dimension_numbers = #tpu.dot_dimension_numbers<[1], [0], [0], [1], [0, 0, 1, 1], [], []>, transpose_lhs_hint = false} : vector<1x8xf32>, vector<8x8xf32>, vector<1x8xf32> -> vector<1x8xf32>
      %dot_general3A_29 = arith.constant dense<0.000000e+00> : vector<1x8xf32>
      %dot_general3A_30 = tpu.matmul %floor3A, %convert_element_type3A_24, %dot_general3A_29 {dimension_numbers = #tpu.dot_dimension_numbers<[1], [0], [0], [1], [0, 0, 1, 1], [], []>, transpose_lhs_hint = false} : vector<1x8xf32>, vector<8x8xf32>, vector<1x8xf32> -> vector<1x8xf32>
      %slice3A = vector.extract_strided_slice %dot_general3A_30 {offsets = [0, 7], sizes = [1, 1], strides = [1, 1]} : vector<1x8xf32> to vector<1x1xf32>
      %squeeze3A = vector.extract %slice3A[0, 0] : f32 from vector<1x1xf32>
      %get3A_31 = arith.constant 0 : index
      %get3A_32 = vector.load %arg11[%get3A_31] : memref<2048xi32, #tpu.memory_space<vmem>>, vector<2048xi32>
      %iota3A_33 = tpu.iota {dimensions = array<i32: 1>} : vector<2048x8xi32>
      %broadcast_in_dim3A = vector.shape_cast %get3A_32 : vector<2048xi32> to vector<2048x1xi32>
      %eq3A_34 = vector.broadcast %broadcast_in_dim3A : vector<2048x1xi32> to vector<2048x8xi32>
      %eq3A_35 = arith.cmpi eq, %iota3A_33, %eq3A_34 : vector<2048x8xi32>
      %convert_element_type3A_36 = arith.extui %eq3A_35 : vector<2048x8xi1> to vector<2048x8xi32>
      %convert_element_type3A_37 = arith.sitofp %convert_element_type3A_36 : vector<2048x8xi32> to vector<2048x8xf32>
      %mul3A_38 = vector.broadcast %dot_general3A_28 : vector<1x8xf32> to vector<2048x8xf32>
      %mul3A_39 = arith.mulf %convert_element_type3A_37, %mul3A_38 : vector<2048x8xf32>
      %reduce_sum3A = arith.constant dense<0.000000e+00> : vector<2048xf32>
      %reduce_sum3A_40 = vector.multi_reduction <add>, %mul3A_39, %reduce_sum3A [1] : vector<2048x8xf32> to vector<2048xf32>
      %get3A_41 = arith.constant 0 : index
      %get3A_42 = vector.load %arg12[%get3A_41] : memref<2048xi32, #tpu.memory_space<vmem>>, vector<2048xi32>
      %convert_element_type3A_43 = arith.fptosi %reduce_sum3A_40 : vector<2048xf32> to vector<2048xi32>
      %add3A_44 = arith.addi %get3A_42, %convert_element_type3A_43 : vector<2048xi32>
      %swap3A = arith.constant 0 : index
      %swap3A_45 = vector.load %arg7[%swap3A] : memref<2048xi32, #tpu.memory_space<vmem>>, vector<2048xi32>
      tpu.vector_store %arg7[%swap3A], %add3A_44 {strides = array<i32>} : memref<2048xi32, #tpu.memory_space<vmem>>, vector<2048xi32>,
      %iota3A_46 = tpu.iota {dimensions = array<i32: 0>} : vector<12x8xi32>
      %convert_element_type3A_47 = arith.sitofp %iota3A_46 : vector<12x8xi32> to vector<12x8xf32>
      %broadcast_in_dim3A_48 = vector.shape_cast %dot_general3A_30 : vector<1x8xf32> to vector<1x8xf32>
      %broadcast_in_dim3A_49 = vector.broadcast %broadcast_in_dim3A_48 : vector<1x8xf32> to vector<12x8xf32>
      %ge3A = arith.cmpf oge, %convert_element_type3A_47, %broadcast_in_dim3A_49 : vector<12x8xf32>
      %convert_element_type3A_50 = arith.extui %ge3A : vector<12x8xi1> to vector<12x8xi32>
      %convert_element_type3A_51 = arith.sitofp %convert_element_type3A_50 : vector<12x8xi32> to vector<12x8xf32>
      %reduce_sum3A_52 = arith.constant dense<0.000000e+00> : vector<12xf32>
      %reduce_sum3A_53 = vector.multi_reduction <add>, %convert_element_type3A_51, %reduce_sum3A_52 [1] : vector<12x8xf32> to vector<12xf32>
      %min3A = arith.constant 7.000000e+00 : f32
      %min3A_54 = vector.broadcast %min3A : f32 to vector<12xf32>
      %min3A_55 = arith.minimumf %reduce_sum3A_53, %min3A_54 : vector<12xf32>
      %convert_element_type3A_56 = arith.fptosi %min3A_55 : vector<12xf32> to vector<12xi32>
      %swap3A_57 = arith.constant 0 : index
      %swap3A_58 = vector.load %arg8[%swap3A_57] : memref<12xi32, #tpu.memory_space<vmem>>, vector<12xi32>
      tpu.vector_store %arg8[%swap3A_57], %convert_element_type3A_56 {strides = array<i32>} : memref<12xi32, #tpu.memory_space<vmem>>, vector<12xi32>,
      %slice3A_59 = vector.extract_strided_slice %convert_element_type3A_47 {offsets = [0, 0], sizes = [12, 1], strides = [1, 1]} : vector<12x8xf32> to vector<12x1xf32>
      %squeeze3A_60 = vector.shape_cast %slice3A_59 : vector<12x1xf32> to vector<12xf32>
      %lt3A_61 = vector.broadcast %squeeze3A : f32 to vector<12xf32>
      %lt3A_62 = arith.cmpf olt, %squeeze3A_60, %lt3A_61 : vector<12xf32>
      %convert_element_type3A_63 = arith.extui %lt3A_62 : vector<12xi1> to vector<12xi32>
      %swap3A_64 = arith.constant 0 : index
      %swap3A_65 = vector.load %arg9[%swap3A_64] : memref<12xi32, #tpu.memory_space<vmem>>, vector<12xi32>
      tpu.vector_store %arg9[%swap3A_64], %convert_element_type3A_63 {strides = array<i32>} : memref<12xi32, #tpu.memory_space<vmem>>, vector<12xi32>,
    } else {
    }
    return
  }
  func.func @transform_0(%arg0: i32) -> (i32, i32) {
    %min3A = arith.constant 3 : i32
    %min3A_0 = arith.minsi %arg0, %min3A : i32
    %c0_i32 = arith.constant 0 : i32
    %c0_i32_1 = arith.constant 0 : i32
    return %min3A_0, %c0_i32 : i32, i32
  }
  func.func @transform_1(%arg0: i32) -> (i32, i32) {
    %c0_i32 = arith.constant 0 : i32
    %c0_i32_0 = arith.constant 0 : i32
    %c0_i32_1 = arith.constant 0 : i32
    return %c0_i32, %c0_i32_0 : i32, i32
  }
  func.func @transform_2(%arg0: i32) -> (i32, i32) {
    %min3A = arith.constant 3 : i32
    %min3A_0 = arith.minsi %arg0, %min3A : i32
    %c0_i32 = arith.constant 0 : i32
    %c0_i32_1 = arith.constant 0 : i32
    return %min3A_0, %c0_i32 : i32, i32
  }
  func.func @transform_3(%arg0: i32) -> (i32, i32) {
    %min3A = arith.constant 3 : i32
    %min3A_0 = arith.minsi %arg0, %min3A : i32
    %c0_i32 = arith.constant 0 : i32
    %c0_i32_1 = arith.constant 0 : i32
    return %min3A_0, %c0_i32 : i32, i32
  }
  func.func @transform_4(%arg0: i32) -> (i32, i32) {
    %c0_i32 = arith.constant 0 : i32
    %c0_i32_0 = arith.constant 0 : i32
    %c0_i32_1 = arith.constant 0 : i32
    return %c0_i32, %c0_i32_0 : i32, i32
  }
  func.func @transform_5(%arg0: i32) -> (i32, i32) {
    %c0_i32 = arith.constant 0 : i32
    %c0_i32_0 = arith.constant 0 : i32
    %c0_i32_1 = arith.constant 0 : i32
    return %c0_i32, %c0_i32_0 : i32, i32
  }
  func.func @transform_6(%arg0: i32) -> i32 {
    %c0_i32 = arith.constant 0 : i32
    %c0_i32_0 = arith.constant 0 : i32
    return %c0_i32 : i32
  }
  func.func @transform_7(%arg0: i32) -> i32 {
    %c0_i32 = arith.constant 0 : i32
    %c0_i32_0 = arith.constant 0 : i32
    return %c0_i32 : i32
  }
  func.func @transform_8(%arg0: i32) -> i32 {
    %c0_i32 = arith.constant 0 : i32
    %c0_i32_0 = arith.constant 0 : i32
    return %c0_i32 : i32
  }
}

</mosaic_0001>

<sc_bundles>
// kernel: kernel.6.cloned.1.call-start
scs
__scs_entry_jumppad:
0x0: {  	(pc) =	sbr.rel $0x88, $3  }
0x1: {  	(tag) =	ssettag $0x0;
	lr =	simm.s32 $0x1  }
0x2: {  	[smem:$0x3F9B] =	sst lr;
	_ =	strace $0xD0000000  }
0x3: {  	_ = 	snop  }
0x4: {  	_ = 	snop  }
0x5: {  	_ = 	snop  }
0x6: {  	_ = 	snop  }
0x7: {  	_ = 	snop  }
__scs_overlays_trampoline_lowered:
0x8: {  	[smem:$0x3FAA] =	sst s0  }
0x9: {  	[smem:$0x3FAB] =	sst s1  }
0xa: {  	[smem:$0x3FAC] =	sst s2  }
0xb: {  	[smem:$0x3FAD] =	sst s3  }
0xc: {  	[smem:$0x3FAE] =	sst s4  }
0xd: {  	[smem:$0x3FAF] =	sst s5  }
0xe: {  	[smem:$0x3FB0] =	sst s6  }
0xf: {  	[smem:$0x3FB1] =	sst s7  }
0x10: {  	[smem:$0x3FB2] =	sst s8  }
0x11: {  	[smem:$0x3FB3] =	sst s9;
	s0 =	simm.s32 @!p0 $0x0  }
0x12: {  	s1 =	sld [smem:$0x3F99];
	s0 =	simm.s32 @p0 $0x1  }
0x13: {  	[smem:$0x3FB4] =	sst s0;
	s0 =	simm.s32 @!p1 $0x0  }
0x14: {  	s2 =	sld [smem:$0x3F98];
	s0 =	simm.s32 @p1 $0x1  }
0x15: {  	[smem:$0x3FB5] =	sst s0;
	s0 =	simm.s32 @!p2 $0x0  }
0x16: {  	s3 =	sld [smem:$0x3FDB];
	s0 =	simm.s32 @p2 $0x1  }
0x17: {  	s4 =	simm.s32 $0x1BF5;
	[smem:$0x3FB7] =	sst s0  }
0x18: {  	s0 =	sld [smem:$0x3F9A];
	_ =	swait.ge [sflag:s4], $0x0  }
0x19: {  	s7 =	sld [smem:$0x3F9B]  }
0x1a: {  	s8 =	sadd.s32 $0xFFFFE003, lr  }
0x1b: {  	s9 =	sadd.s32 $0xFFFFFEF7, lr;
	s5 =	simm.s32 $0xFFFFFFFF;
	p2 =	slt.u32 s8, $0xFFFFF086  }
0x1c: {  	p1 =	slt.u32 s9, $0xF7A;
	s5 =	simm.s32 @!p2 $0x0  }
0x1d: {  	s5 =	simm.s32 @p1 $0x1;
	p0 =	seq.s32 s7, s2  }
0x1e: {  	s7 =	smul.u32 @!p0 $0xF7A, s2;
	p2 =	seq.s32 @!p0 s5, $0x0  }
0x1f: {  	s9 =	smul.u32 $0xF7A, s1;
	s8 =	simm.s32 @!p0 $0x1BF5;
	p2 =	por !p2, p0  }
0x20: {  	[sflag:s8] =	ssyncset.s32 @!p0 $0xFFFFF086;
	s6 =	sadd.s32 @!p0 s3, s7;
	s7 =	simm.s32 @!p0 $0x108  }
0x21: {  	s3 =	sadd.s32 s3, s9;
	s6 =	sadd.s32 @!p0 $0x88, s6;
	s7 =	simm.s32 @p2 $0x1082  }
0x22: {  	[simem:s7], [sflag:s8] =	dma.local @!p0 [hbm:s6], $0xF7A  }
0x23: {  	s9 =	sor.u32 $0xD0000000, s2;
	s6 =	simm.s32 $0x108;
	_ =	swait.ge @!p0 [sflag:s8], $0x0  }
0x24: {  	s3 =	sadd.s32 $0x88, s3;
	s6 =	simm.s32 @!p1 $0x1082;
	[sflag:s4] =	ssyncset.s32 $0xFFFFF086  }
0x25: {  	[simem:s6], [sflag:s4] =	dma.local [hbm:s3], $0xF7A  }
0x26: {  	[smem:$0x3F9B] =	sst s1;
	(tag) =	ssettag s2;
	_ =	strace s9  }
0x27: {  	s1 =	sld [smem:$0x3FAB]  }
0x28: {  	s2 =	sld [smem:$0x3FAC]  }
0x29: {  	s4 =	sld [smem:$0x3FAE]  }
0x2a: {  	p0 =	seq.s32 s5, $0x0;
	s5 =	sld [smem:$0x3FAF]  }
0x2b: {  	s6 =	sld [smem:$0x3FB0]  }
0x2c: {  	s7 =	sld [smem:$0x3FB1]  }
0x2d: {  	s3 =	simm.s32 $0x108;
	s8 =	sld [smem:$0x3FB2]  }
0x2e: {  	s3 =	simm.s32 @!p0 $0x1082;
	s9 =	sld [smem:$0x3FB3]  }
0x2f: {  	lr =	sadd.s32 s0, s3;
	s0 =	sld [smem:$0x3FAA]  }
0x30: {  	s3 =	sld [smem:$0x3FAD]  }
0x31: {  	[smem:$0x3FB6] =	sst s10  }
0x32: {  	s10 =	sld [smem:$0x3FB4];
	_ =	sdelay $0x3  }
0x33: {  	p0 =	seq.s32 s10, $0x1;
	s10 =	sld [smem:$0x3FB6];
	_ =	sdelay $0x3  }
0x34: {  	[smem:$0x3FB6] =	sst s10  }
0x35: {  	s10 =	sld [smem:$0x3FB5];
	_ =	sdelay $0x3  }
0x36: {  	p1 =	seq.s32 s10, $0x1;
	s10 =	sld [smem:$0x3FB6];
	_ =	sdelay $0x3  }
0x37: {  	[smem:$0x3FB6] =	sst s10  }
0x38: {  	s10 =	sld [smem:$0x3FB7]  }
0x39: {  	_ = 	snop;
	(pc) =	sbr.ind lr, $3  }
0x3a: {  	_ = 	snop  }
0x3b: {  	_ = 	snop  }
0x3c: {  	p2 =	seq.s32 s10, $0x1;
	s10 =	sld [smem:$0x3FB6]  }
0x3d: {  	_ =	shalt  }
0x3e: {  	_ =	shalt  }
0x3f: {  	_ =	shalt  }
0x40: {  	_ =	shalt  }
0x41: {  	_ =	shalt  }
0x42: {  	_ =	shalt  }
0x43: {  	_ =	shalt  }
0x44: {  	_ =	shalt  }
0x45: {  	_ =	shalt  }
0x46: {  	_ =	shalt  }
0x47: {  	_ =	shalt  }
0x48: {  	_ =	shalt  }
0x49: {  	_ =	shalt  }
0x4a: {  	_ =	shalt  }
0x4b: {  	_ =	shalt  }
0x4c: {  	_ =	shalt  }
0x4d: {  	_ =	shalt  }
0x4e: {  	_ =	shalt  }
0x4f: {  	_ =	shalt  }
0x50: {  	_ =	shalt  }
0x51: {  	_ =	shalt  }
0x52: {  	_ =	shalt  }
0x53: {  	_ =	shalt  }
0x54: {  	_ =	shalt  }
0x55: {  	_ =	shalt  }
0x56: {  	_ =	shalt  }
0x57: {  	_ =	shalt  }
0x58: {  	_ =	shalt  }
0x59: {  	_ =	shalt  }
0x5a: {  	_ =	shalt  }
0x5b: {  	_ =	shalt  }
0x5c: {  	_ =	shalt  }
0x5d: {  	_ =	shalt  }
0x5e: {  	_ =	shalt  }
0x5f: {  	_ =	shalt  }
0x60: {  	_ =	shalt  }
0x61: {  	_ =	shalt  }
0x62: {  	_ =	shalt  }
0x63: {  	_ =	shalt  }
0x64: {  	_ =	shalt  }
0x65: {  	_ =	shalt  }
0x66: {  	_ =	shalt  }
0x67: {  	_ =	shalt  }
0x68: {  	_ =	shalt  }
0x69: {  	_ =	shalt  }
0x6a: {  	_ =	shalt  }
0x6b: {  	_ =	shalt  }
0x6c: {  	_ =	shalt  }
0x6d: {  	_ =	shalt  }
0x6e: {  	_ =	shalt  }
0x6f: {  	_ =	shalt  }
0x70: {  	_ =	shalt  }
0x71: {  	_ =	shalt  }
0x72: {  	_ =	shalt  }
0x73: {  	_ =	shalt  }
0x74: {  	_ =	shalt  }
0x75: {  	_ =	shalt  }
0x76: {  	_ =	shalt  }
0x77: {  	_ =	shalt  }
0x78: {  	_ =	shalt  }
0x79: {  	_ =	shalt  }
0x7a: {  	_ =	shalt  }
0x7b: {  	_ =	shalt  }
0x7c: {  	_ =	shalt  }
0x7d: {  	_ =	shalt  }
0x7e: {  	_ =	shalt  }
0x7f: {  	_ =	shalt  }
0x80: {  	_ =	shalt  }
0x81: {  	_ =	shalt  }
0x82: {  	_ =	shalt  }
0x83: {  	_ =	shalt  }
0x84: {  	_ =	shalt  }
0x85: {  	_ =	shalt  }
0x86: {  	_ =	shalt  }
0x87: {  	_ =	shalt  }
.Lfunc_end0:
.L_simem_size_0:
called_computation_lowered:
.L_overlay_start_0:
0x88: {  	s2 =	sld [smem:$0x3FD9]  }
0x89: {  	s3 =	sld [smem:$0x3FFE];
	_ =	sdelay $0x1  }
0x8a: {  	s1 =	srdreg.scid  }
0x8b: {  	s0 =	sand.u32 $0x1, s1  }
0x8c: {  	s14 =	sshll.u32 s0, $0xA;
	s2 =	sadd.s32 s3, s2  }
0x8d: {  	s2 =	sadd.s32 s2, s14  }
0x8e: {  	[smem:$0x3FC2] =	sst s2  }
0x8f: {  	_ = 	snop  }
0x90: {  	s2 =	sld [smem:$0x3FD0];
	_ =	sdelay $0x2  }
0x91: {  	s4 =	simm.s32 $0xA;
	s5 =	simm.s32 $0x10;
	s15 =	sld [smem:$0x3FC9]  }
0x92: {  	[smem:s5], [sflag:s4] =	dma.local [hbm:s2], $0x1  }
0x93: {  	_ =	swait.eq [sflag:s4], $0x1  }
0x94: {  	[sflag:s4] =	ssyncset.done $0x0  }
0x95: {  	[sflag:s4] =	ssyncadd.s32 $0xFFFFFFFF  }
0x96: {  	s16 =	sld [smem:$0x10];
	(tm) =	ssettm $0x1  }
0x97: {  	s17 =	sld [smem:$0x3FFB];
	_ =	sdelay $0x3  }
0x98: {  	_ =	strace s17  }
0x99: {  	s4 =	sld [smem:$0x3FFC];
	_ =	sdelay $0x3  }
0x9a: {  	_ =	strace s4  }
0x9b: {  	s4 =	sld [smem:$0x3FFD];
	_ =	sdelay $0x3  }
0x9c: {  	_ =	strace s4  }
0x9d: {  	_ =	strace $0x8FFFFFFF  }
0x9e: {  	s18 =	sld [smem:$0x3FDB];
	_ =	sdelay $0x1  }
0x9f: {  	s19 =	simm.s32 $_scs_section_size  }
0xa0: {  	s6 =	simm.s32 $_size__tile_overlayer_lowered;
	s7 =	simm.s32 $_tile_overlayer_lowered  }
0xa1: {  	s22 =	simm.s32 $0x1BFF;
	s21 =	sshll.u32 s7, $0x1;
	s4 =	sadd.s32 s19, s18  }
0xa2: {  	s8 =	simm.s32 $0x0;
	s20 =	sshll.u32 s6, $0x1;
	s6 =	sadd.s32 s21, s4  }
0xa3: {  	[timem:s8], [sflag:s22] =	dma.local [hbm:s6], s20  }
0xa4: {  	_ =	swait.ge [sflag:s22], s20  }
0xa5: {  	s5 =	ssub.s32 $0x0, s20;
	[sflag:s22] =	ssyncset.done $0x0  }
0xa6: {  	[sflag:s22] =	ssyncadd.s32 s5;
	_ =	sdelay $0x1  }
0xa7: {  	s23 =	simm.s32 $0x1B8B  }
0xa8: {  	_ =	swait.ge [sflag:s23], $0x1  }
0xa9: {  	[sflag:s23] =	ssyncset.done $0x0  }
0xaa: {  	s25 =	simm.s32 $0x1B8E;
	s24 =	sld [smem:$0x3FFE];
	[sflag:s23] =	ssyncadd.s32 $0xFFFFFFFF  }
0xab: {  	s26 =	simm.s32 $execute0_lowered;
	[smem:$0x3FD2] =	sst s25  }
0xac: {  	s6 =	sshll.u32 s26, $0x1;
	_ =	strace $0x80000046;
	[dreg:$0x1] =	wrdreg $0xFFFFFFFF  }
0xad: {  	s28 =	simm.s32 $_size_execute0_lowered;
	s4 =	sadd.s32 s4, s6;
	[dreg:$0x0] =	wrdreg $0x0  }
0xae: {  	s6 =	sshll.u32 s28, $0x1;
	[dreg:$0x2] =	wrdreg s4  }
0xaf: {  	[dreg:$0x3] =	wrdreg s6  }
0xb0: {  	[dreg:$0x4] =	wrdreg $0xC0  }
0xb1: {  	_ =	task [dreg:s8], $0x5FFFF  }
0xb2: {  	[dreg:$0x1] =	wrdreg $0xFFFFFFFF  }
0xb3: {  	[dreg:$0x0] =	wrdreg $0x60  }
0xb4: {  	[dreg:$0x2] =	wrdreg s15  }
0xb5: {  	[dreg:$0x3] =	wrdreg s24  }
0xb6: {  	[dreg:$0x4] =	wrdreg s16  }
0xb7: {  	[dreg:$0x5] =	wrdreg $0x9  }
0xb8: {  	_ =	task.clear_ibuf [dreg:s8], $0x6FFFF;
	_ =	strace $0x90000046  }
0xb9: {  	s29 =	simm.s32 $0x9;
	_ =	strace $0x80000048  }
0xba: {  	_ =	swait.ge [sflag:s29], $0x1  }
0xbb: {  	[sflag:s29] =	ssyncadd.s32 $0xFFFFFFFF  }
0xbc: {  	_ =	strace $0x90000048  }
0xbd: {  	_ =	sfence  }
0xbe: {  	s30 =	sld [smem:$0x0];
	_ =	sdelay $0x2  }
0xbf: {  	s31 =	sshll.u32 s1, $0xD;
	s1 =	sshrl.u32 s1, $0x2  }
0xc0: {  	s3 =	sand.u32 $0x4000, s31;
	s1 =	sadd.s32 s1, s30  }
0xc1: {  	s0 =	sor.u32 s3, s0;
	s1 =	sshll.u32 s1, $0x11  }
0xc2: {  	s0 =	sor.u32 s1, s0  }
0xc3: {  	s0 =	sadd.s32 $0x8F2B, s0  }
0xc4: {  	[sflag:s0] =	ssyncadd.remote.s32 $0x1  }
0xc5: {  	_ =	sfence.sel $0xFFFF  }
0xc6: {  	[dreg:$0x0] =	wrdreg $0xFFFFFFFF;
	(pc) =	sbr.abs _section_cstart, $3  }
0xc7: {  	[dreg:$0x1] =	wrdreg $0xFFFFFFFF  }
0xc8: {  	_ =	task.clear_ibuf [dreg:s8], $0x2FFFF;
	_ =	strace $0x9FFFFFFF  }
0xc9: {  	(tm) =	ssettm $0x7FFFFFFF  }
tec
execute0_lowered:
.L_overlay_start_1:
0x0: {  	(tag) =	ssettag $0x1  }
0x1: {  	s1 =	rddreg [dreg:$0x0]  }
0x2: {  	s5 =	rddreg [dreg:$0x1];
	s2 =	srdreg.scid  }
0x3: {  	s3 =	rddreg [dreg:$0x2];
	s0 =	stileid.u32;
	s23 =	simm.s32 $0x880  }
0x4: {  	s24 =	simm.s32 $0x1080;
	s25 =	simm.s32 $0x1880;
	s8 =	simm.s32 $0x80  }
0x5: {  	s26 =	simm.s32 $0x2080;
	s9 =	simm.s32 $0xC080;
	s11 =	simm.s32 $0x3080  }
0x6: {  	s12 =	simm.s32 $0x3880;
	s13 =	simm.s32 $0x4080;
	s14 =	simm.s32 $0x4880  }
0x7: {  	s15 =	simm.s32 $0x5080;
	s16 =	simm.s32 $0x5880;
	s17 =	simm.s32 $0x6080  }
0x8: {  	s18 =	simm.s32 $0x6880;
	s19 =	simm.s32 $0x7080;
	s28 =	simm.s32 $0xB080  }
0x9: {  	s4 =	sand.u32 $0x1, s2;
	[dreg:$0x4] =	wrdreg s3;
	s2 =	simm.s32 $0x0  }
0xa: {  	s29 =	simm.s32 $0xB880;
	s30 =	simm.s32 $0x40;
	[smem:$0x7FF] =	sst s2  }
0xb: {  	s31 =	simm.s32 $0x1;
	_ =	strace $0x80000047;
	[dreg:$0x8] =	wrdreg s23  }
0xc: {  	s20 =	sshll.u32 s0, $0x7;
	s6 =	sshll.u32 s4, $0x6;
	[dreg:$0x9] =	wrdreg s24  }
0xd: {  	s4 =	ssub.s32 $0x2, s4;
	s3 =	sor.u32 s6, s20;
	[dreg:$0xa] =	wrdreg s25  }
0xe: {  	s21 =	sshrl.u32 s4, $0x1;
	[dreg:$0xb] =	wrdreg s26;
	s20 =	simm.s32 $0x7880  }
0xf: {  	s23 =	simm.s32 $0x9080;
	s24 =	simm.s32 $0x9880;
	s25 =	simm.s32 $0xA080  }
0x10: {  	s26 =	simm.s32 $0xA880;
	s6 =	sshrl.u32 s3, $0x3;
	s3 =	sshll.u32 s3, $0x4  }
0x11: {  	s7 =	sadd.s32 s6, s5;
	s6 =	smul.u32 $0x300, s6;
	s3 =	sadd.s32 s3, s5  }
0x12: {  	s7 =	sadd.s32 $0x11C00, s7;
	s22 =	sadd.s32 $0x1C00, s3;
	s3 =	sadd.s32 $0x12000, s5  }
0x13: {  	[dreg:$0x5] =	wrdreg s7;
	s1 =	sadd.s32 s1, s6;
	s6 =	ssub.s32 s4, s21  }
0x14: {  	v2 =	vlaneseq.u32;
	[dreg:$0x7] =	wrdreg s22;
	s4 =	sadd.s32 $0x12100, s5;
	s5 =	sadd.s32 $0x12200, s5  }
0x15: {  	vm0 =	vmmov $0xffff;
	v1 =	vshrl.u32 v2, $0x3;
	s7 =	simm.s32 $0x3;
	s21 =	simm.s32 $0x8080;
	s22 =	simm.s32 $0x8880  }
0x16: {  	v0 =	vand.u32 $0x7, v2;
	v2 =	vor.u32 $0x8, v2;
	v1 =	vmul.u32 $0x8, v1;
	[dreg:$0x6] =	wrdreg s1;
	s6 =	smax.u32 s6, $0x1;
	s1 =	simm.s32 $0x2  }
.LBB2_1:
0x17: {  	s0 =	rddreg [dreg:$0x5]  }
0x18: {  	[tilespmem:s2], [sflag:$0x3] =	stream.linear.gather [hbm4b:s0+s2], $0x40, $0x38;
	[tilespmem:$0xE080] =	vst v63  }
0x19: {  	_ =	swait.ge [sflag:s7], $0x40  }
0x1a: {  	[sflag:s7] =	ssyncset.done $0x0  }
0x1b: {  	s10 =	rddreg [dreg:$0x6];
	[sflag:s7] =	ssyncadd.s32 $0xFFFFFFC0  }
0x1c: {  	[tilespmem:s8], [sflag:$0x3] =	stream.linear.gather [hbm4b:s10+s2], $0xC000, $0x38;
	[tilespmem:$0xE080] =	vst v63  }
0x1d: {  	_ =	swait.ge [sflag:s7], $0xC000  }
0x1e: {  	[sflag:s7] =	ssyncset.done $0x0  }
0x1f: {  	s10 =	rddreg [dreg:$0x7];
	[sflag:s7] =	ssyncadd.s32 $0xFFFF4000  }
0x20: {  	[tilespmem:s9], [sflag:$0x3] =	stream.linear.gather [hbm4b:s10+s2], $0x2000, $0x38;
	[tilespmem:$0xE080] =	vst v63  }
0x21: {  	_ =	swait.ge [sflag:s7], $0x2000  }
0x22: {  	[sflag:s7] =	ssyncset.done $0x0  }
0x23: {  	[sflag:s7] =	ssyncadd.s32 $0xFFFFE000  }
0x24: {  	v3 =	vld [tilespmem:$0x0];
	_ =	sdelay $0x4  }
0x25: {  	v4 =	vshrl.u32 v3, $0x3  }
0x26: {  	v4 =	vmul.u32 $0x30, v4  }
0x27: {  	v3 =	vand.u32 $0x7, v3  }
0x28: {  	v3 =	vor.u32 v3, v4  }
0x29: {  	v4 =	vperm.xlane v3, v0;
	_ =	sdelay $0x1  }
0x2a: {  	v4 =	vadd.s32 v1, v4;
	_ =	sdelay $0x3  }
0x2b: {  	v3 =	vperm.xlane v3, v2  }
0x2c: {  	[hbm4b:s3+s2] =	stream.indirect_vreg.scatter [tilespmem:s8], [sflag:$0x1], $0x80, v4, vm0, $0xb8;
	[tilespmem:$0xE080] =	vst v63  }
0x2d: {  	s0 =	rddreg [dreg:$0x8];
	v3 =	vadd.s32 v1, v3  }
0x2e: {  	[hbm4b:s4+s2] =	stream.indirect_vreg.scatter [tilespmem:s0], [sflag:$0x1], $0x80, v4, vm0, $0xb8;
	[tilespmem:$0xE080] =	vst v63  }
0x2f: {  	s10 =	rddreg [dreg:$0x9]  }
0x30: {  	[hbm4b:s5+s2] =	stream.indirect_vreg.scatter [tilespmem:s10], [sflag:$0x1], $0x80, v4, vm0, $0xb8;
	[tilespmem:$0xE080] =	vst v63  }
0x31: {  	s0 =	rddreg [dreg:$0xa]  }
0x32: {  	[hbm4b:s3+s2] =	stream.indirect_vreg.scatter [tilespmem:s0], [sflag:$0x1], $0x80, v3, vm0, $0xb8;
	[tilespmem:$0xE080] =	vst v63  }
0x33: {  	s10 =	rddreg [dreg:$0xb]  }
0x34: {  	[hbm4b:s4+s2] =	stream.indirect_vreg.scatter [tilespmem:s10], [sflag:$0x1], $0x80, v3, vm0, $0xb8;
	[tilespmem:$0xE080] =	vst v63  }
0x35: {  	s10 =	simm.s32 $0x2880  }
0x36: {  	[hbm4b:s5+s2] =	stream.indirect_vreg.scatter [tilespmem:s10], [sflag:$0x1], $0x80, v3, vm0, $0xb8;
	[tilespmem:$0xE080] =	vst v63  }
0x37: {  	v3 =	vld [tilespmem:$0x10];
	_ =	sdelay $0x4  }
0x38: {  	v61 =	vshrl.u32 v3, $0x3  }
0x39: {  	v4 =	vmul.u32 $0x30, v61  }
0x3a: {  	v3 =	vand.u32 $0x7, v3  }
0x3b: {  	v3 =	vor.u32 v3, v4  }
0x3c: {  	v4 =	vperm.xlane v3, v0;
	_ =	sdelay $0x1  }
0x3d: {  	v4 =	vadd.s32 v1, v4;
	_ =	sdelay $0x3  }
0x3e: {  	v3 =	vperm.xlane v3, v2  }
0x3f: {  	[hbm4b:s3+s2] =	stream.indirect_vreg.scatter [tilespmem:s11], [sflag:$0x1], $0x80, v4, vm0, $0xb8;
	[tilespmem:$0xE080] =	vst v63  }
0x40: {  	v3 =	vadd.s32 v1, v3  }
0x41: {  	[hbm4b:s4+s2] =	stream.indirect_vreg.scatter [tilespmem:s12], [sflag:$0x1], $0x80, v4, vm0, $0xb8;
	[tilespmem:$0xE080] =	vst v63  }
0x42: {  	_ = 	snop  }
0x43: {  	[hbm4b:s5+s2] =	stream.indirect_vreg.scatter [tilespmem:s13], [sflag:$0x1], $0x80, v4, vm0, $0xb8;
	[tilespmem:$0xE080] =	vst v63  }
0x44: {  	_ = 	snop  }
0x45: {  	[hbm4b:s3+s2] =	stream.indirect_vreg.scatter [tilespmem:s14], [sflag:$0x1], $0x80, v3, vm0, $0xb8;
	[tilespmem:$0xE080] =	vst v63  }
0x46: {  	_ = 	snop  }
0x47: {  	[hbm4b:s4+s2] =	stream.indirect_vreg.scatter [tilespmem:s15], [sflag:$0x1], $0x80, v3, vm0, $0xb8;
	[tilespmem:$0xE080] =	vst v63  }
0x48: {  	_ = 	snop  }
0x49: {  	[hbm4b:s5+s2] =	stream.indirect_vreg.scatter [tilespmem:s16], [sflag:$0x1], $0x80, v3, vm0, $0xb8;
	[tilespmem:$0xE080] =	vst v63  }
0x4a: {  	v3 =	vld [tilespmem:$0x20];
	_ =	sdelay $0x4  }
0x4b: {  	v62 =	vshrl.u32 v3, $0x3  }
0x4c: {  	v4 =	vmul.u32 $0x30, v62  }
0x4d: {  	v3 =	vand.u32 $0x7, v3  }
0x4e: {  	v3 =	vor.u32 v3, v4  }
0x4f: {  	v4 =	vperm.xlane v3, v0;
	_ =	sdelay $0x1  }
0x50: {  	v4 =	vadd.s32 v1, v4;
	_ =	sdelay $0x3  }
0x51: {  	v3 =	vperm.xlane v3, v2  }
0x52: {  	[hbm4b:s3+s2] =	stream.indirect_vreg.scatter [tilespmem:s17], [sflag:$0x1], $0x80, v4, vm0, $0xb8;
	[tilespmem:$0xE080] =	vst v63  }
0x53: {  	v3 =	vadd.s32 v1, v3  }
0x54: {  	[hbm4b:s4+s2] =	stream.indirect_vreg.scatter [tilespmem:s18], [sflag:$0x1], $0x80, v4, vm0, $0xb8;
	[tilespmem:$0xE080] =	vst v63  }
0x55: {  	_ = 	snop  }
0x56: {  	[hbm4b:s5+s2] =	stream.indirect_vreg.scatter [tilespmem:s19], [sflag:$0x1], $0x80, v4, vm0, $0xb8;
	[tilespmem:$0xE080] =	vst v63  }
0x57: {  	_ = 	snop  }
0x58: {  	[hbm4b:s3+s2] =	stream.indirect_vreg.scatter [tilespmem:s20], [sflag:$0x1], $0x80, v3, vm0, $0xb8;
	[tilespmem:$0xE080] =	vst v63  }
0x59: {  	_ = 	snop  }
0x5a: {  	[hbm4b:s4+s2] =	stream.indirect_vreg.scatter [tilespmem:s21], [sflag:$0x1], $0x80, v3, vm0, $0xb8;
	[tilespmem:$0xE080] =	vst v63  }
0x5b: {  	_ = 	snop  }
0x5c: {  	[hbm4b:s5+s2] =	stream.indirect_vreg.scatter [tilespmem:s22], [sflag:$0x1], $0x80, v3, vm0, $0xb8;
	[tilespmem:$0xE080] =	vst v63  }
0x5d: {  	v3 =	vld [tilespmem:$0x30];
	_ =	sdelay $0x4  }
0x5e: {  	v63 =	vshrl.u32 v3, $0x3  }
0x5f: {  	v4 =	vmul.u32 $0x30, v63  }
0x60: {  	v3 =	vand.u32 $0x7, v3  }
0x61: {  	v3 =	vor.u32 v3, v4  }
0x62: {  	v4 =	vperm.xlane v3, v0;
	_ =	sdelay $0x1  }
0x63: {  	v4 =	vadd.s32 v1, v4;
	_ =	sdelay $0x3  }
0x64: {  	v3 =	vperm.xlane v3, v2  }
0x65: {  	[hbm4b:s3+s2] =	stream.indirect_vreg.scatter [tilespmem:s23], [sflag:$0x1], $0x80, v4, vm0, $0xb8;
	[tilespmem:$0xE080] =	vst v63  }
0x66: {  	v3 =	vadd.s32 v1, v3  }
0x67: {  	[hbm4b:s4+s2] =	stream.indirect_vreg.scatter [tilespmem:s24], [sflag:$0x1], $0x80, v4, vm0, $0xb8;
	[tilespmem:$0xE080] =	vst v63  }
0x68: {  	_ = 	snop  }
0x69: {  	[hbm4b:s5+s2] =	stream.indirect_vreg.scatter [tilespmem:s25], [sflag:$0x1], $0x80, v4, vm0, $0xb8;
	[tilespmem:$0xE080] =	vst v63  }
0x6a: {  	_ = 	snop  }
0x6b: {  	[hbm4b:s3+s2] =	stream.indirect_vreg.scatter [tilespmem:s26], [sflag:$0x1], $0x80, v3, vm0, $0xb8;
	[tilespmem:$0xE080] =	vst v63  }
0x6c: {  	_ = 	snop  }
0x6d: {  	[hbm4b:s4+s2] =	stream.indirect_vreg.scatter [tilespmem:s28], [sflag:$0x1], $0x80, v3, vm0, $0xb8;
	[tilespmem:$0xE080] =	vst v63  }
0x6e: {  	_ = 	snop  }
0x6f: {  	[hbm4b:s5+s2] =	stream.indirect_vreg.scatter [tilespmem:s29], [sflag:$0x1], $0x80, v3, vm0, $0xb8;
	[tilespmem:$0xE080] =	vst v63  }
0x70: {  	s10 =	rddreg [dreg:$0x4]  }
0x71: {  	[hbm4b:s10+s30] =	stream.indirect.scatter [tilespmem:s9], [sflag:$0x2], $0x80, s2, s30, $0xb8;
	[tilespmem:$0xE080] =	vst v63  }
0x72: {  	p0 =	sne.s32 s6, $0x1;
	_ =	swait.ge [sflag:s31], $0xC000  }
.Ltmp0:
0x73: {  	[sflag:s31] =	ssyncset.done $0x0;
	(pc) =	sbr.rel @p0 .LBB2_1-.Ltmp0, $4  }
0x74: {  	[sflag:s31] =	ssyncadd.s32 $0xFFFF4000  }
0x75: {  	_ =	swait.ge [sflag:s1], $0x2000  }
0x76: {  	[sflag:s1] =	ssyncset.done $0x0  }
0x77: {  	s6 =	sadd.s32 $0xFFFFFFFF, s6;
	[sflag:s1] =	ssyncadd.s32 $0xFFFFE000  }
0x78: {  	_ =	sfence.sel $0x180000  }
0x79: {  	[bflag:$0x0] =	sbarrier.arrive $0xFFFF  }
0x7a: {  	_ =	strace $0x90000047  }
0x7b: {  	s0 =	stileid.u32;
	[bflag:$0x2] =	sbarrier.arrive $0xFFFF  }
0x7c: {  	p0 =	sne.s32 s0, $0x0;
	s0 =	rddreg [dreg:$0x3]  }
0x7d: {  	s0 =	sadd.s32 @!p0 $0x100000, s0  }
0x7e: {  	[sflag:s0] =	ssyncadd.tile.s32 @!p0 $0x1;
	_ =	shalt  }
.Lfunc_end2:
_tile_overlayer_lowered:
.L_overlay_start_2:
0x7f: {  	(tag) =	ssettag $0x2  }
0x80: {  	s0 =	rddreg [dreg:$0x0];
	s2 =	stileid.u32  }
0x81: {  	s1 =	rddreg [dreg:$0x1];
	p0 =	sne.s32 s2, $0x0  }
0x82: {  	s3 =	rddreg [dreg:$0x2];
	[bflag:$0x3] =	sbarrier.arrive $0xFFFF;
	s2 =	simm.s32 @!p0 $0x1C03  }
0x83: {  	[timem:s3], [sflag:s2] =	dma.local @!p0 [hbm:s0], s1  }
0x84: {  	s0 =	simm.s32 @!p0 $0x3  }
0x85: {  	_ =	swait.ge @!p0 [sflag:s0], s1  }
0x86: {  	s1 =	ssub.s32 @!p0 $0x0, s1;
	[sflag:s0] =	ssyncset.done @!p0 $0x0  }
0x87: {  	[sflag:s0] =	ssyncadd.s32 @!p0 s1  }
0x88: {  	[bflag:$0x3] =	sbarrier.arrive $0xFFFF  }
0x89: {  	_ =	shalt  }

// kernel: kernel.9.cloned.1.call-start
scs
__scs_entry_jumppad:
0x0: {  	(pc) =	sbr.rel $0x88, $3  }
0x1: {  	(tag) =	ssettag $0x0;
	lr =	simm.s32 $0x1  }
0x2: {  	[smem:$0x3F9B] =	sst lr;
	_ =	strace $0xD0000000  }
0x3: {  	_ = 	snop  }
0x4: {  	_ = 	snop  }
0x5: {  	_ = 	snop  }
0x6: {  	_ = 	snop  }
0x7: {  	_ = 	snop  }
__scs_overlays_trampoline_lowered:
0x8: {  	[smem:$0x3FAA] =	sst s0  }
0x9: {  	[smem:$0x3FAB] =	sst s1  }
0xa: {  	[smem:$0x3FAC] =	sst s2  }
0xb: {  	[smem:$0x3FAD] =	sst s3  }
0xc: {  	[smem:$0x3FAE] =	sst s4  }
0xd: {  	[smem:$0x3FAF] =	sst s5  }
0xe: {  	[smem:$0x3FB0] =	sst s6  }
0xf: {  	[smem:$0x3FB1] =	sst s7  }
0x10: {  	[smem:$0x3FB2] =	sst s8  }
0x11: {  	[smem:$0x3FB3] =	sst s9;
	s0 =	simm.s32 @!p0 $0x0  }
0x12: {  	s1 =	sld [smem:$0x3F99];
	s0 =	simm.s32 @p0 $0x1  }
0x13: {  	[smem:$0x3FB4] =	sst s0;
	s0 =	simm.s32 @!p1 $0x0  }
0x14: {  	s2 =	sld [smem:$0x3F98];
	s0 =	simm.s32 @p1 $0x1  }
0x15: {  	[smem:$0x3FB5] =	sst s0;
	s0 =	simm.s32 @!p2 $0x0  }
0x16: {  	s3 =	sld [smem:$0x3FDB];
	s0 =	simm.s32 @p2 $0x1  }
0x17: {  	s4 =	simm.s32 $0x1BF5;
	[smem:$0x3FB7] =	sst s0  }
0x18: {  	s0 =	sld [smem:$0x3F9A];
	_ =	swait.ge [sflag:s4], $0x0  }
0x19: {  	s7 =	sld [smem:$0x3F9B]  }
0x1a: {  	s8 =	sadd.s32 $0xFFFFE003, lr  }
0x1b: {  	s9 =	sadd.s32 $0xFFFFFEF7, lr;
	s5 =	simm.s32 $0xFFFFFFFF;
	p2 =	slt.u32 s8, $0xFFFFF086  }
0x1c: {  	p1 =	slt.u32 s9, $0xF7A;
	s5 =	simm.s32 @!p2 $0x0  }
0x1d: {  	s5 =	simm.s32 @p1 $0x1;
	p0 =	seq.s32 s7, s2  }
0x1e: {  	s7 =	smul.u32 @!p0 $0xF7A, s2;
	p2 =	seq.s32 @!p0 s5, $0x0  }
0x1f: {  	s9 =	smul.u32 $0xF7A, s1;
	s8 =	simm.s32 @!p0 $0x1BF5;
	p2 =	por !p2, p0  }
0x20: {  	[sflag:s8] =	ssyncset.s32 @!p0 $0xFFFFF086;
	s6 =	sadd.s32 @!p0 s3, s7;
	s7 =	simm.s32 @!p0 $0x108  }
0x21: {  	s3 =	sadd.s32 s3, s9;
	s6 =	sadd.s32 @!p0 $0x88, s6;
	s7 =	simm.s32 @p2 $0x1082  }
0x22: {  	[simem:s7], [sflag:s8] =	dma.local @!p0 [hbm:s6], $0xF7A  }
0x23: {  	s9 =	sor.u32 $0xD0000000, s2;
	s6 =	simm.s32 $0x108;
	_ =	swait.ge @!p0 [sflag:s8], $0x0  }
0x24: {  	s3 =	sadd.s32 $0x88, s3;
	s6 =	simm.s32 @!p1 $0x1082;
	[sflag:s4] =	ssyncset.s32 $0xFFFFF086  }
0x25: {  	[simem:s6], [sflag:s4] =	dma.local [hbm:s3], $0xF7A  }
0x26: {  	[smem:$0x3F9B] =	sst s1;
	(tag) =	ssettag s2;
	_ =	strace s9  }
0x27: {  	s1 =	sld [smem:$0x3FAB]  }
0x28: {  	s2 =	sld [smem:$0x3FAC]  }
0x29: {  	s4 =	sld [smem:$0x3FAE]  }
0x2a: {  	p0 =	seq.s32 s5, $0x0;
	s5 =	sld [smem:$0x3FAF]  }
0x2b: {  	s6 =	sld [smem:$0x3FB0]  }
0x2c: {  	s7 =	sld [smem:$0x3FB1]  }
0x2d: {  	s3 =	simm.s32 $0x108;
	s8 =	sld [smem:$0x3FB2]  }
0x2e: {  	s3 =	simm.s32 @!p0 $0x1082;
	s9 =	sld [smem:$0x3FB3]  }
0x2f: {  	lr =	sadd.s32 s0, s3;
	s0 =	sld [smem:$0x3FAA]  }
0x30: {  	s3 =	sld [smem:$0x3FAD]  }
0x31: {  	[smem:$0x3FB6] =	sst s10  }
0x32: {  	s10 =	sld [smem:$0x3FB4];
	_ =	sdelay $0x3  }
0x33: {  	p0 =	seq.s32 s10, $0x1;
	s10 =	sld [smem:$0x3FB6];
	_ =	sdelay $0x3  }
0x34: {  	[smem:$0x3FB6] =	sst s10  }
0x35: {  	s10 =	sld [smem:$0x3FB5];
	_ =	sdelay $0x3  }
0x36: {  	p1 =	seq.s32 s10, $0x1;
	s10 =	sld [smem:$0x3FB6];
	_ =	sdelay $0x3  }
0x37: {  	[smem:$0x3FB6] =	sst s10  }
0x38: {  	s10 =	sld [smem:$0x3FB7]  }
0x39: {  	_ = 	snop;
	(pc) =	sbr.ind lr, $3  }
0x3a: {  	_ = 	snop  }
0x3b: {  	_ = 	snop  }
0x3c: {  	p2 =	seq.s32 s10, $0x1;
	s10 =	sld [smem:$0x3FB6]  }
0x3d: {  	_ =	shalt  }
0x3e: {  	_ =	shalt  }
0x3f: {  	_ =	shalt  }
0x40: {  	_ =	shalt  }
0x41: {  	_ =	shalt  }
0x42: {  	_ =	shalt  }
0x43: {  	_ =	shalt  }
0x44: {  	_ =	shalt  }
0x45: {  	_ =	shalt  }
0x46: {  	_ =	shalt  }
0x47: {  	_ =	shalt  }
0x48: {  	_ =	shalt  }
0x49: {  	_ =	shalt  }
0x4a: {  	_ =	shalt  }
0x4b: {  	_ =	shalt  }
0x4c: {  	_ =	shalt  }
0x4d: {  	_ =	shalt  }
0x4e: {  	_ =	shalt  }
0x4f: {  	_ =	shalt  }
0x50: {  	_ =	shalt  }
0x51: {  	_ =	shalt  }
0x52: {  	_ =	shalt  }
0x53: {  	_ =	shalt  }
0x54: {  	_ =	shalt  }
0x55: {  	_ =	shalt  }
0x56: {  	_ =	shalt  }
0x57: {  	_ =	shalt  }
0x58: {  	_ =	shalt  }
0x59: {  	_ =	shalt  }
0x5a: {  	_ =	shalt  }
0x5b: {  	_ =	shalt  }
0x5c: {  	_ =	shalt  }
0x5d: {  	_ =	shalt  }
0x5e: {  	_ =	shalt  }
0x5f: {  	_ =	shalt  }
0x60: {  	_ =	shalt  }
0x61: {  	_ =	shalt  }
0x62: {  	_ =	shalt  }
0x63: {  	_ =	shalt  }
0x64: {  	_ =	shalt  }
0x65: {  	_ =	shalt  }
0x66: {  	_ =	shalt  }
0x67: {  	_ =	shalt  }
0x68: {  	_ =	shalt  }
0x69: {  	_ =	shalt  }
0x6a: {  	_ =	shalt  }
0x6b: {  	_ =	shalt  }
0x6c: {  	_ =	shalt  }
0x6d: {  	_ =	shalt  }
0x6e: {  	_ =	shalt  }
0x6f: {  	_ =	shalt  }
0x70: {  	_ =	shalt  }
0x71: {  	_ =	shalt  }
0x72: {  	_ =	shalt  }
0x73: {  	_ =	shalt  }
0x74: {  	_ =	shalt  }
0x75: {  	_ =	shalt  }
0x76: {  	_ =	shalt  }
0x77: {  	_ =	shalt  }
0x78: {  	_ =	shalt  }
0x79: {  	_ =	shalt  }
0x7a: {  	_ =	shalt  }
0x7b: {  	_ =	shalt  }
0x7c: {  	_ =	shalt  }
0x7d: {  	_ =	shalt  }
0x7e: {  	_ =	shalt  }
0x7f: {  	_ =	shalt  }
0x80: {  	_ =	shalt  }
0x81: {  	_ =	shalt  }
0x82: {  	_ =	shalt  }
0x83: {  	_ =	shalt  }
0x84: {  	_ =	shalt  }
0x85: {  	_ =	shalt  }
0x86: {  	_ =	shalt  }
0x87: {  	_ =	shalt  }
.Lfunc_end0:
.L_simem_size_0:
called_computation.1_lowered:
.L_overlay_start_0:
0x88: {  	s2 =	sld [smem:$0x3FD9]  }
0x89: {  	s3 =	sld [smem:$0x3FFE];
	_ =	sdelay $0x1  }
0x8a: {  	s1 =	srdreg.scid  }
0x8b: {  	s0 =	sand.u32 $0x1, s1  }
0x8c: {  	s14 =	sshll.u32 s0, $0xA;
	s2 =	sadd.s32 s3, s2  }
0x8d: {  	s2 =	sadd.s32 s2, s14  }
0x8e: {  	[smem:$0x3FC2] =	sst s2  }
0x8f: {  	_ = 	snop  }
0x90: {  	s2 =	sld [smem:$0x3FD0];
	_ =	sdelay $0x2  }
0x91: {  	s15 =	simm.s32 $0xA;
	s4 =	simm.s32 $0x10  }
0x92: {  	[smem:s4], [sflag:s15] =	dma.local [hbm:s2], $0x1  }
0x93: {  	_ =	swait.eq [sflag:s15], $0x1  }
0x94: {  	[sflag:s15] =	ssyncset.done $0x0  }
0x95: {  	[sflag:s15] =	ssyncadd.s32 $0xFFFFFFFF  }
0x96: {  	s16 =	sld [smem:$0x10];
	(tm) =	ssettm $0x1  }
0x97: {  	s17 =	sld [smem:$0x3FFB];
	_ =	sdelay $0x3  }
0x98: {  	_ =	strace s17  }
0x99: {  	s3 =	sld [smem:$0x3FFC];
	_ =	sdelay $0x3  }
0x9a: {  	_ =	strace s3  }
0x9b: {  	s3 =	sld [smem:$0x3FFD];
	_ =	sdelay $0x3  }
0x9c: {  	_ =	strace s3  }
0x9d: {  	_ =	strace $0x8FFFFFFF  }
0x9e: {  	s18 =	sld [smem:$0x3FDB];
	_ =	sdelay $0x1  }
0x9f: {  	s19 =	simm.s32 $_scs_section_size  }
0xa0: {  	s5 =	simm.s32 $_size__tile_overlayer_lowered;
	s6 =	simm.s32 $_tile_overlayer_lowered  }
0xa1: {  	s22 =	simm.s32 $0x1BFF;
	s21 =	sshll.u32 s6, $0x1;
	s3 =	sadd.s32 s19, s18  }
0xa2: {  	s7 =	simm.s32 $0x0;
	s20 =	sshll.u32 s5, $0x1;
	s5 =	sadd.s32 s21, s3  }
0xa3: {  	[timem:s7], [sflag:s22] =	dma.local [hbm:s5], s20  }
0xa4: {  	_ =	swait.ge [sflag:s22], s20  }
0xa5: {  	s4 =	ssub.s32 $0x0, s20;
	[sflag:s22] =	ssyncset.done $0x0  }
0xa6: {  	[sflag:s22] =	ssyncadd.s32 s4;
	_ =	sdelay $0x1  }
0xa7: {  	s23 =	simm.s32 $0x1B8B  }
0xa8: {  	_ =	swait.ge [sflag:s23], $0x1  }
0xa9: {  	[sflag:s23] =	ssyncset.done $0x0  }
0xaa: {  	s25 =	simm.s32 $0x1B8E;
	s24 =	sld [smem:$0x3FFE];
	[sflag:s23] =	ssyncadd.s32 $0xFFFFFFFF  }
0xab: {  	s26 =	simm.s32 $execute0_lowered;
	[smem:$0x3FD2] =	sst s25  }
0xac: {  	s5 =	sshll.u32 s26, $0x1;
	_ =	strace $0x80000049;
	[dreg:$0x1] =	wrdreg $0xFFFFFFFF  }
0xad: {  	s28 =	simm.s32 $_size_execute0_lowered;
	s3 =	sadd.s32 s3, s5;
	[dreg:$0x0] =	wrdreg $0x0  }
0xae: {  	s5 =	sshll.u32 s28, $0x1;
	[dreg:$0x2] =	wrdreg s3  }
0xaf: {  	[dreg:$0x3] =	wrdreg s5  }
0xb0: {  	[dreg:$0x4] =	wrdreg $0xC0  }
0xb1: {  	_ =	task [dreg:s7], $0x5FFFF  }
0xb2: {  	[dreg:$0x1] =	wrdreg $0xFFFFFFFF  }
0xb3: {  	[dreg:$0x0] =	wrdreg $0x60  }
0xb4: {  	[dreg:$0x2] =	wrdreg s24  }
0xb5: {  	[dreg:$0x3] =	wrdreg s16  }
0xb6: {  	[dreg:$0x4] =	wrdreg $0x9  }
0xb7: {  	_ =	task.clear_ibuf [dreg:s7], $0x5FFFF;
	_ =	strace $0x90000049  }
0xb8: {  	s29 =	simm.s32 $0x9;
	_ =	strace $0x8000004B  }
0xb9: {  	_ =	swait.ge [sflag:s29], $0x1  }
0xba: {  	[sflag:s29] =	ssyncadd.s32 $0xFFFFFFFF  }
0xbb: {  	_ =	strace $0x9000004B  }
0xbc: {  	_ =	sfence  }
0xbd: {  	s30 =	sld [smem:$0x0];
	_ =	sdelay $0x2  }
0xbe: {  	s31 =	sshll.u32 s1, $0xD;
	s1 =	sshrl.u32 s1, $0x2  }
0xbf: {  	s3 =	sand.u32 $0x4000, s31;
	s1 =	sadd.s32 s1, s30  }
0xc0: {  	s0 =	sor.u32 s3, s0;
	s1 =	sshll.u32 s1, $0x11  }
0xc1: {  	s0 =	sor.u32 s1, s0  }
0xc2: {  	s0 =	sadd.s32 $0x8F2B, s0  }
0xc3: {  	[sflag:s0] =	ssyncadd.remote.s32 $0x1  }
0xc4: {  	_ =	sfence.sel $0xFFFF  }
0xc5: {  	[dreg:$0x0] =	wrdreg $0xFFFFFFFF;
	(pc) =	sbr.abs _section_cstart, $3  }
0xc6: {  	[dreg:$0x1] =	wrdreg $0xFFFFFFFF  }
0xc7: {  	_ =	task.clear_ibuf [dreg:s7], $0x2FFFF;
	_ =	strace $0x9FFFFFFF  }
0xc8: {  	(tm) =	ssettm $0x7FFFFFFF  }
0xc9: {  	_ =	shalt  }
tec
execute0_lowered:
.L_overlay_start_1:
0x0: {  	(tag) =	ssettag $0x1  }
0x1: {  	s0 =	rddreg [dreg:$0x0]  }
0x2: {  	s5 =	rddreg [dreg:$0x1];
	s3 =	srdreg.scid  }
0x3: {  	s2 =	simm.s32 $0x0;
	s1 =	stileid.u32;
	s26 =	simm.s32 $0x880  }
0x4: {  	s10 =	simm.s32 $0x1880;
	s11 =	simm.s32 $0x2080;
	s12 =	simm.s32 $0x2880  }
0x5: {  	s13 =	simm.s32 $0x3080;
	s14 =	simm.s32 $0x3880;
	s15 =	simm.s32 $0x4080  }
0x6: {  	s16 =	simm.s32 $0x4880;
	s17 =	simm.s32 $0x5080;
	s18 =	simm.s32 $0x5880  }
0x7: {  	s19 =	simm.s32 $0x6080;
	s20 =	simm.s32 $0x6880;
	s21 =	simm.s32 $0x7080  }
0x8: {  	s22 =	simm.s32 $0x7880;
	s28 =	simm.s32 $0xA080;
	s29 =	simm.s32 $0xA880  }
0x9: {  	s30 =	simm.s32 $0xB080;
	s31 =	simm.s32 $0xB880;
	s3 =	sand.u32 $0x1, s3  }
0xa: {  	[smem:$0x7FF] =	sst s2;
	s4 =	sshll.u32 s1, $0x4;
	s6 =	sshll.u32 s3, $0x3  }
0xb: {  	_ =	strace $0x8000004A;
	s23 =	ssub.s32 $0x2, s3;
	s3 =	sadd.s32 $0xA2000, s0  }
0xc: {  	[dreg:$0x5] =	wrdreg s26;
	s26 =	simm.s32 $0x9880;
	s4 =	sor.u32 s6, s4  }
0xd: {  	s8 =	sshrl.u32 s23, $0x1;
	s7 =	sadd.s32 s4, s0;
	s9 =	smul.u32 $0x300, s4  }
0xe: {  	s6 =	ssub.s32 s23, s8;
	s4 =	sadd.s32 $0xA2100, s0;
	s8 =	simm.s32 $0x80  }
0xf: {  	s23 =	simm.s32 $0x8080;
	s24 =	sadd.s32 $0x11C00, s7;
	s6 =	smax.u32 s6, $0x1  }
0x10: {  	v2 =	vlaneseq.u32;
	s7 =	simm.s32 $0x2;
	[dreg:$0x3] =	wrdreg s24;
	s25 =	sadd.s32 s5, s9  }
0x11: {  	vm0 =	vmmov $0xffff;
	v1 =	vshrl.u32 v2, $0x3;
	s5 =	sadd.s32 $0xA2200, s0;
	s9 =	simm.s32 $0x1080;
	s24 =	simm.s32 $0x8880  }
0x12: {  	v0 =	vand.u32 $0x7, v2;
	v2 =	vor.u32 $0x8, v2;
	v1 =	vmul.u32 $0x8, v1;
	s0 =	simm.s32 $0x1;
	[dreg:$0x4] =	wrdreg s25;
	s25 =	simm.s32 $0x9080  }
.LBB2_1:
0x13: {  	s1 =	rddreg [dreg:$0x3]  }
0x14: {  	[tilespmem:s2], [sflag:$0x2] =	stream.linear.gather [hbm4b:s1+s2], $0x40, $0x38;
	[tilespmem:$0xC080] =	vst v63  }
0x15: {  	_ =	swait.ge [sflag:s7], $0x40  }
0x16: {  	[sflag:s7] =	ssyncset.done $0x0  }
0x17: {  	[sflag:s7] =	ssyncadd.s32 $0xFFFFFFC0  }
0x18: {  	v3 =	vld [tilespmem:$0x0];
	_ =	sdelay $0x4  }
0x19: {  	v4 =	vshrl.u32 v3, $0x3  }
0x1a: {  	v4 =	vmul.u32 $0x30, v4  }
0x1b: {  	v3 =	vand.u32 $0x7, v3  }
0x1c: {  	v3 =	vor.u32 v3, v4  }
0x1d: {  	v4 =	vperm.xlane v3, v0;
	_ =	sdelay $0x1  }
0x1e: {  	v4 =	vadd.s32 v1, v4;
	_ =	sdelay $0x3  }
0x1f: {  	v3 =	vperm.xlane v3, v2  }
0x20: {  	[tilespmem:s8], [sflag:$0x1] =	stream.indirect_vreg.gather [hbm4b:s3+s2], $0x80, v4, vm0, $0xb8;
	[tilespmem:$0xC080] =	vst v63  }
0x21: {  	s1 =	rddreg [dreg:$0x5];
	v3 =	vadd.s32 v1, v3  }
0x22: {  	[tilespmem:s1], [sflag:$0x1] =	stream.indirect_vreg.gather [hbm4b:s4+s2], $0x80, v4, vm0, $0xb8;
	[tilespmem:$0xC080] =	vst v63  }
0x23: {  	_ = 	snop  }
0x24: {  	[tilespmem:s9], [sflag:$0x1] =	stream.indirect_vreg.gather [hbm4b:s5+s2], $0x80, v4, vm0, $0xb8;
	[tilespmem:$0xC080] =	vst v63  }
0x25: {  	_ = 	snop  }
0x26: {  	[tilespmem:s10], [sflag:$0x1] =	stream.indirect_vreg.gather [hbm4b:s3+s2], $0x80, v3, vm0, $0xb8;
	[tilespmem:$0xC080] =	vst v63  }
0x27: {  	_ = 	snop  }
0x28: {  	[tilespmem:s11], [sflag:$0x1] =	stream.indirect_vreg.gather [hbm4b:s4+s2], $0x80, v3, vm0, $0xb8;
	[tilespmem:$0xC080] =	vst v63  }
0x29: {  	_ = 	snop  }
0x2a: {  	[tilespmem:s12], [sflag:$0x1] =	stream.indirect_vreg.gather [hbm4b:s5+s2], $0x80, v3, vm0, $0xb8;
	[tilespmem:$0xC080] =	vst v63  }
0x2b: {  	v3 =	vld [tilespmem:$0x10];
	_ =	sdelay $0x4  }
0x2c: {  	v61 =	vshrl.u32 v3, $0x3  }
0x2d: {  	v4 =	vmul.u32 $0x30, v61  }
0x2e: {  	v3 =	vand.u32 $0x7, v3  }
0x2f: {  	v3 =	vor.u32 v3, v4  }
0x30: {  	v4 =	vperm.xlane v3, v0;
	_ =	sdelay $0x1  }
0x31: {  	v4 =	vadd.s32 v1, v4;
	_ =	sdelay $0x3  }
0x32: {  	v3 =	vperm.xlane v3, v2  }
0x33: {  	[tilespmem:s13], [sflag:$0x1] =	stream.indirect_vreg.gather [hbm4b:s3+s2], $0x80, v4, vm0, $0xb8;
	[tilespmem:$0xC080] =	vst v63  }
0x34: {  	v3 =	vadd.s32 v1, v3  }
0x35: {  	[tilespmem:s14], [sflag:$0x1] =	stream.indirect_vreg.gather [hbm4b:s4+s2], $0x80, v4, vm0, $0xb8;
	[tilespmem:$0xC080] =	vst v63  }
0x36: {  	_ = 	snop  }
0x37: {  	[tilespmem:s15], [sflag:$0x1] =	stream.indirect_vreg.gather [hbm4b:s5+s2], $0x80, v4, vm0, $0xb8;
	[tilespmem:$0xC080] =	vst v63  }
0x38: {  	_ = 	snop  }
0x39: {  	[tilespmem:s16], [sflag:$0x1] =	stream.indirect_vreg.gather [hbm4b:s3+s2], $0x80, v3, vm0, $0xb8;
	[tilespmem:$0xC080] =	vst v63  }
0x3a: {  	_ = 	snop  }
0x3b: {  	[tilespmem:s17], [sflag:$0x1] =	stream.indirect_vreg.gather [hbm4b:s4+s2], $0x80, v3, vm0, $0xb8;
	[tilespmem:$0xC080] =	vst v63  }
0x3c: {  	_ = 	snop  }
0x3d: {  	[tilespmem:s18], [sflag:$0x1] =	stream.indirect_vreg.gather [hbm4b:s5+s2], $0x80, v3, vm0, $0xb8;
	[tilespmem:$0xC080] =	vst v63  }
0x3e: {  	v3 =	vld [tilespmem:$0x20];
	_ =	sdelay $0x4  }
0x3f: {  	v62 =	vshrl.u32 v3, $0x3  }
0x40: {  	v4 =	vmul.u32 $0x30, v62  }
0x41: {  	v3 =	vand.u32 $0x7, v3  }
0x42: {  	v3 =	vor.u32 v3, v4  }
0x43: {  	v4 =	vperm.xlane v3, v0;
	_ =	sdelay $0x1  }
0x44: {  	v4 =	vadd.s32 v1, v4;
	_ =	sdelay $0x3  }
0x45: {  	v3 =	vperm.xlane v3, v2  }
0x46: {  	[tilespmem:s19], [sflag:$0x1] =	stream.indirect_vreg.gather [hbm4b:s3+s2], $0x80, v4, vm0, $0xb8;
	[tilespmem:$0xC080] =	vst v63  }
0x47: {  	v3 =	vadd.s32 v1, v3  }
0x48: {  	[tilespmem:s20], [sflag:$0x1] =	stream.indirect_vreg.gather [hbm4b:s4+s2], $0x80, v4, vm0, $0xb8;
	[tilespmem:$0xC080] =	vst v63  }
0x49: {  	_ = 	snop  }
0x4a: {  	[tilespmem:s21], [sflag:$0x1] =	stream.indirect_vreg.gather [hbm4b:s5+s2], $0x80, v4, vm0, $0xb8;
	[tilespmem:$0xC080] =	vst v63  }
0x4b: {  	_ = 	snop  }
0x4c: {  	[tilespmem:s22], [sflag:$0x1] =	stream.indirect_vreg.gather [hbm4b:s3+s2], $0x80, v3, vm0, $0xb8;
	[tilespmem:$0xC080] =	vst v63  }
0x4d: {  	_ = 	snop  }
0x4e: {  	[tilespmem:s23], [sflag:$0x1] =	stream.indirect_vreg.gather [hbm4b:s4+s2], $0x80, v3, vm0, $0xb8;
	[tilespmem:$0xC080] =	vst v63  }
0x4f: {  	_ = 	snop  }
0x50: {  	[tilespmem:s24], [sflag:$0x1] =	stream.indirect_vreg.gather [hbm4b:s5+s2], $0x80, v3, vm0, $0xb8;
	[tilespmem:$0xC080] =	vst v63  }
0x51: {  	v3 =	vld [tilespmem:$0x30];
	_ =	sdelay $0x4  }
0x52: {  	v63 =	vshrl.u32 v3, $0x3  }
0x53: {  	v4 =	vmul.u32 $0x30, v63  }
0x54: {  	v3 =	vand.u32 $0x7, v3  }
0x55: {  	v3 =	vor.u32 v3, v4  }
0x56: {  	v4 =	vperm.xlane v3, v0;
	_ =	sdelay $0x1  }
0x57: {  	v4 =	vadd.s32 v1, v4;
	_ =	sdelay $0x3  }
0x58: {  	v3 =	vperm.xlane v3, v2  }
0x59: {  	[tilespmem:s25], [sflag:$0x1] =	stream.indirect_vreg.gather [hbm4b:s3+s2], $0x80, v4, vm0, $0xb8;
	[tilespmem:$0xC080] =	vst v63  }
0x5a: {  	v3 =	vadd.s32 v1, v3  }
0x5b: {  	[tilespmem:s26], [sflag:$0x1] =	stream.indirect_vreg.gather [hbm4b:s4+s2], $0x80, v4, vm0, $0xb8;
	[tilespmem:$0xC080] =	vst v63  }
0x5c: {  	_ = 	snop  }
0x5d: {  	[tilespmem:s28], [sflag:$0x1] =	stream.indirect_vreg.gather [hbm4b:s5+s2], $0x80, v4, vm0, $0xb8;
	[tilespmem:$0xC080] =	vst v63  }
0x5e: {  	_ = 	snop  }
0x5f: {  	[tilespmem:s29], [sflag:$0x1] =	stream.indirect_vreg.gather [hbm4b:s3+s2], $0x80, v3, vm0, $0xb8;
	[tilespmem:$0xC080] =	vst v63  }
0x60: {  	_ = 	snop  }
0x61: {  	[tilespmem:s30], [sflag:$0x1] =	stream.indirect_vreg.gather [hbm4b:s4+s2], $0x80, v3, vm0, $0xb8;
	[tilespmem:$0xC080] =	vst v63  }
0x62: {  	_ = 	snop  }
0x63: {  	[tilespmem:s31], [sflag:$0x1] =	stream.indirect_vreg.gather [hbm4b:s5+s2], $0x80, v3, vm0, $0xb8;
	[tilespmem:$0xC080] =	vst v63  }
0x64: {  	_ =	swait.ge [sflag:s0], $0xC000  }
0x65: {  	p0 =	sne.s32 s6, $0x1;
	[sflag:s0] =	ssyncset.done $0x0  }
.Ltmp0:
0x66: {  	s1 =	rddreg [dreg:$0x4];
	[sflag:s0] =	ssyncadd.s32 $0xFFFF4000;
	(pc) =	sbr.rel @p0 .LBB2_1-.Ltmp0, $4  }
0x67: {  	[hbm4b:s1+s2] =	stream.linear.scatter [tilespmem:s8], [sflag:$0x2], $0xC000, $0x38;
	[tilespmem:$0xC080] =	vst v63  }
0x68: {  	_ =	swait.ge [sflag:s7], $0xC000  }
0x69: {  	[sflag:s7] =	ssyncset.done $0x0  }
0x6a: {  	s6 =	sadd.s32 $0xFFFFFFFF, s6;
	[sflag:s7] =	ssyncadd.s32 $0xFFFF4000  }
0x6b: {  	_ =	sfence.sel $0x180000  }
0x6c: {  	[bflag:$0x0] =	sbarrier.arrive $0xFFFF  }
0x6d: {  	_ =	strace $0x9000004A  }
0x6e: {  	s0 =	stileid.u32;
	[bflag:$0x2] =	sbarrier.arrive $0xFFFF  }
0x6f: {  	p0 =	sne.s32 s0, $0x0;
	s0 =	rddreg [dreg:$0x2]  }
0x70: {  	s0 =	sadd.s32 @!p0 $0x100000, s0  }
0x71: {  	[sflag:s0] =	ssyncadd.tile.s32 @!p0 $0x1;
	_ =	shalt  }
.Lfunc_end2:
_tile_overlayer_lowered:
.L_overlay_start_2:
0x72: {  	(tag) =	ssettag $0x2  }
0x73: {  	s0 =	rddreg [dreg:$0x0];
	s2 =	stileid.u32  }
0x74: {  	s1 =	rddreg [dreg:$0x1];
	p0 =	sne.s32 s2, $0x0  }
0x75: {  	s3 =	rddreg [dreg:$0x2];
	[bflag:$0x3] =	sbarrier.arrive $0xFFFF;
	s2 =	simm.s32 @!p0 $0x1C02  }
0x76: {  	[timem:s3], [sflag:s2] =	dma.local @!p0 [hbm:s0], s1  }
0x77: {  	s0 =	simm.s32 @!p0 $0x2  }
0x78: {  	_ =	swait.ge @!p0 [sflag:s0], s1  }
0x79: {  	s1 =	ssub.s32 @!p0 $0x0, s1;
	[sflag:s0] =	ssyncset.done @!p0 $0x0  }
0x7a: {  	[sflag:s0] =	ssyncadd.s32 @!p0 s1  }
0x7b: {  	[bflag:$0x3] =	sbarrier.arrive $0xFFFF  }
0x7c: {  	_ =	shalt  }

</sc_bundles>
